<compile_context>
chip_gen: v7x
topology: tpu7x:2x2x1
jax: 0.10.2.dev20260603
libtpu: 0.0.44.dev20260713+nightly
codegen_flags: <defaults>
</compile_context>

<pallas_src>
import jax
import jax.numpy as jnp
from jax import lax
from jax.experimental import pallas as pl
from jax.experimental.pallas import tpu as pltpu
from jax.experimental.pallas import tpu_sc as plsc

N_FACTORS = 32
BATCH = 16384
NC = 2
NS = 16
NW = NC * NS
L = 16
B_PER_W = BATCH // NW
CHUNK = 128
NCHUNK = B_PER_W // CHUNK


def _body(data_hbm, uf_hbm, vf_hbm, out_hbm,
          duo_v, uidx_v, iidx_v, urows_v, vrows_v, out_v, sem):
  wid = lax.axis_index("s") * NC + lax.axis_index("c")

  pltpu.sync_copy(data_hbm.at[pl.ds(wid * (2 * B_PER_W), 2 * B_PER_W)], duo_v)

  lanes = lax.iota(jnp.int32, L)
  idx_even = (lanes & 7) * 2
  idx_odd = idx_even + 1
  in_lo = lanes < 8

  def deint(g, carry):
    a = duo_v[pl.ds(g * 2 * L, L)]
    b = duo_v[pl.ds(g * 2 * L + L, L)]
    ua = jnp.take_along_axis(a, idx_even, axis=0, mode="promise_in_bounds")
    ub = jnp.take_along_axis(b, idx_even, axis=0, mode="promise_in_bounds")
    ia = jnp.take_along_axis(a, idx_odd, axis=0, mode="promise_in_bounds")
    ib = jnp.take_along_axis(b, idx_odd, axis=0, mode="promise_in_bounds")
    uidx_v[pl.ds(g * L, L)] = jnp.where(in_lo, ua, ub)
    iidx_v[pl.ds(g * L, L)] = jnp.where(in_lo, ia, ib)
    return carry

  lax.fori_loop(0, B_PER_W // L, deint, 0)

  copies = []
  for j in range(NCHUNK):
    copies.append(pltpu.async_copy(
        uf_hbm.at[uidx_v.at[pl.ds(j * CHUNK, CHUNK)]],
        urows_v.at[pl.ds(j * CHUNK, CHUNK)], sem))
    copies.append(pltpu.async_copy(
        vf_hbm.at[iidx_v.at[pl.ds(j * CHUNK, CHUNK)]],
        vrows_v.at[pl.ds(j * CHUNK, CHUNK)], sem))
  for c in copies:
    c.wait()

  def group(g, carry):
    acc = jnp.zeros((L,), jnp.float32)
    for j in range(L):
      r = g * L + j
      u0 = urows_v[r, pl.ds(0, L)]
      u1 = urows_v[r, pl.ds(L, L)]
      v0 = vrows_v[r, pl.ds(0, L)]
      v1 = vrows_v[r, pl.ds(L, L)]
      s = u0 * v0 + u1 * v1
      acc = jnp.where(lanes == j, jnp.sum(s), acc)
    out_v[pl.ds(g * L, L)] = acc
    return carry

  lax.fori_loop(0, B_PER_W // L, group, 0)

  pltpu.sync_copy(out_v, out_hbm.at[pl.ds(wid * B_PER_W, B_PER_W)])


@jax.jit
def kernel(data, user_factors, item_factors):
  mesh = plsc.VectorSubcoreMesh(
      core_axis_name="c", subcore_axis_name="s", num_cores=NC,
      num_subcores=NS)
  run = pl.kernel(
      _body,
      out_type=jax.ShapeDtypeStruct((BATCH,), jnp.float32),
      mesh=mesh,
      compiler_params=pltpu.CompilerParams(
          needs_layout_passes=False, use_tc_tiling_on_sc=False),
      scratch_types=[
          pltpu.VMEM((2 * B_PER_W,), jnp.int32),
          pltpu.VMEM((B_PER_W,), jnp.int32),
          pltpu.VMEM((B_PER_W,), jnp.int32),
          pltpu.VMEM((B_PER_W, N_FACTORS), jnp.float32),
          pltpu.VMEM((B_PER_W, N_FACTORS), jnp.float32),
          pltpu.VMEM((B_PER_W,), jnp.float32),
          pltpu.SemaphoreType.DMA,
      ],
  )
  return run(data.reshape(2 * BATCH), user_factors, item_factors)

# --- scband reference (transcript-rebuilt; emitter-appended) ---
"""Pipeline reference for scband-matrix-factorization-52475910422782 (READ-ONLY COPY).

The authoritative reference and input builder live on the scoring server;
editing this copy changes nothing except your own understanding.
"""

import jax, jax.numpy as jnp
import numpy as np

N_USERS = 1000000
N_ITEMS = 1000000
N_FACTORS = 32
BATCH = 16384

def setup_inputs(seed: int = 0) -> dict:
    key = jax.random.key(seed)
    k1, k2, k3 = jax.random.split(key, 3)
    data = jax.random.randint(k1, (BATCH, 2), 0, N_USERS, dtype=jnp.int64 if jax.config.jax_enable_x64 else jnp.int32).astype(jnp.int32)
    user_factors = jax.random.uniform(k2, (N_USERS, N_FACTORS), dtype=jnp.float32, minval=0.0, maxval=0.05)
    item_factors = jax.random.uniform(k3, (N_ITEMS, N_FACTORS), dtype=jnp.float32, minval=0.0, maxval=0.05)
    return {"data": data, "user_factors": user_factors, "item_factors": item_factors}

def reference(data, user_factors, item_factors):
    users = data[:, 0]
    items = data[:, 1]
    u = jnp.take(user_factors, users, axis=0)
    v = jnp.take(item_factors, items, axis=0)
    return (u * v).sum(1)

if __name__ == "__main__":
    import jax
    _d = setup_inputs()
    print(jax.jit(kernel)(*tuple(_d.values())))

</pallas_src>

<mosaic_0001>
#map = affine_map<(d0, d1) -> (0)>
#map1 = affine_map<(d0, d1) -> (0, 0)>
module attributes {stable_mosaic.version = 14 : i64} {
  func.func @_body(%arg0: i32, %arg1: i32, %arg2: memref<32768xi32, #tpu.memory_space<hbm>>, %arg3: memref<1000000x32xf32, #tpu.memory_space<hbm>>, %arg4: memref<1000000x32xf32, #tpu.memory_space<hbm>>, %arg5: memref<16384xf32, #tpu.memory_space<hbm>>, %arg6: memref<1024xi32, #tpu.memory_space<vmem>>, %arg7: memref<512xi32, #tpu.memory_space<vmem>>, %arg8: memref<512xi32, #tpu.memory_space<vmem>>, %arg9: memref<512x32xf32, #tpu.memory_space<vmem>>, %arg10: memref<512x32xf32, #tpu.memory_space<vmem>>, %arg11: memref<512xf32, #tpu.memory_space<vmem>>, %arg12: memref<!tpu.dma_semaphore, #tpu.memory_space<semaphore_mem>>) attributes {dimension_semantics = [#tpu.dimension_semantics<core_parallel>, #tpu.dimension_semantics<subcore_parallel>], iteration_bounds = array<i64: 2, 16>, scalar_prefetch = 0 : i64, scratch_operands = 7 : i64, tpu.core_type = #tpu.core_type<sc_vector_subcore>, window_params = [{transform_indices = #map}, {transform_indices = #map1}, {transform_indices = #map1}, {transform_indices = #map}]} {
    %mul3A = arith.constant 2 : i32
    %mul3A_0 = arith.muli %arg1, %mul3A : i32
    %add3A = arith.addi %mul3A_0, %arg0 : i32
    %mul3A_1 = arith.constant 1024 : i32
    %mul3A_2 = arith.muli %add3A, %mul3A_1 : i32
    "tpu.region"() ({
      %run_scoped3A = tpu.sem_alloc : memref<!tpu.dma_semaphore, #tpu.memory_space<semaphore_mem>>
      %dma_start3A_152 = tpu.memref_slice %arg2[%mul3A_2] : memref<32768xi32, #tpu.memory_space<hbm>> -> memref<1024xi32, #tpu.memory_space<hbm>>
      %dma_start3A_153 = tpu.memref_slice %arg2[%mul3A_2] : memref<32768xi32, #tpu.memory_space<hbm>> -> memref<1024xi32, #tpu.memory_space<hbm>>
      tpu.enqueue_dma source(%dma_start3A_153 : memref<1024xi32, #tpu.memory_space<hbm>>) target(%arg6 : memref<1024xi32, #tpu.memory_space<vmem>>) target_semaphore(%run_scoped3A : memref<!tpu.dma_semaphore, #tpu.memory_space<semaphore_mem>>)
      %dma_wait3A_154 = tpu.memref_slice %arg2[%mul3A_2] : memref<32768xi32, #tpu.memory_space<hbm>> -> memref<1024xi32, #tpu.memory_space<hbm>>
      %dma_wait3A_155 = tpu.memref_slice %arg2[%mul3A_2] : memref<32768xi32, #tpu.memory_space<hbm>> -> memref<1024xi32, #tpu.memory_space<hbm>>
      tpu.wait_dma2 semaphore(%run_scoped3A : memref<!tpu.dma_semaphore, #tpu.memory_space<semaphore_mem>>) src(%dma_wait3A_155 : memref<1024xi32, #tpu.memory_space<hbm>>) dst(%arg6 : memref<1024xi32, #tpu.memory_space<vmem>>)
      tpu.yield
    }) : () -> ()
    %iota3A = tpu.iota {dimensions = array<i32: 0>} : vector<16xi32>
    %and3A = arith.constant 7 : i32
    %and3A_3 = vector.broadcast %and3A : i32 to vector<16xi32>
    %and3A_4 = arith.andi %iota3A, %and3A_3 : vector<16xi32>
    %mul3A_5 = arith.constant 2 : i32
    %mul3A_6 = vector.broadcast %mul3A_5 : i32 to vector<16xi32>
    %mul3A_7 = arith.muli %and3A_4, %mul3A_6 : vector<16xi32>
    %add3A_8 = arith.constant 1 : i32
    %add3A_9 = vector.broadcast %add3A_8 : i32 to vector<16xi32>
    %add3A_10 = arith.addi %mul3A_7, %add3A_9 : vector<16xi32>
    %lt3A = arith.constant 8 : i32
    %lt3A_11 = vector.broadcast %lt3A : i32 to vector<16xi32>
    %lt3A_12 = arith.cmpi slt, %iota3A, %lt3A_11 : vector<16xi32>
    %scan3A = arith.constant 0 : i32
    %scan3A_13 = arith.constant 0 : i32
    %scan3A_14 = arith.constant 32 : i32
    %scan3A_15 = arith.addi %scan3A_13, %scan3A_14 : i32
    %scan3A_16 = arith.constant 1 : i32
    scf.for %scan3A_152 = %scan3A_13 to %scan3A_15 step %scan3A_16  : i32 {
      %mul3A_153 = arith.constant 2 : i32
      %mul3A_154 = arith.muli %scan3A_152, %mul3A_153 : i32
      %mul3A_155 = arith.constant 16 : i32
      %mul3A_156 = arith.muli %mul3A_154, %mul3A_155 : i32
      %get3A = arith.index_cast %mul3A_156 : i32 to index
      %get3A_157 = tpu.vector_load %arg6[%get3A] {strides = array<i32>} : memref<1024xi32, #tpu.memory_space<vmem>>, vector<16xi32>,
      %mul3A_158 = arith.constant 2 : i32
      %mul3A_159 = arith.muli %scan3A_152, %mul3A_158 : i32
      %mul3A_160 = arith.constant 16 : i32
      %mul3A_161 = arith.muli %mul3A_159, %mul3A_160 : i32
      %add3A_162 = arith.constant 16 : i32
      %add3A_163 = arith.addi %mul3A_161, %add3A_162 : i32
      %get3A_164 = arith.index_cast %add3A_163 : i32 to index
      %get3A_165 = tpu.vector_load %arg6[%get3A_164] {strides = array<i32>} : memref<1024xi32, #tpu.memory_space<vmem>>, vector<16xi32>,
      %reshape3A = vector.shape_cast %mul3A_7 : vector<16xi32> to vector<16x1xi32>
      %gather3A = vector.shape_cast %reshape3A : vector<16x1xi32> to vector<16xi32>
      %gather3A_166 = tpu.dynamic_gather %get3A_157[%gather3A] in [0] : vector<16xi32>, vector<16xi32> -> vector<16xi32>
      %reshape3A_167 = vector.shape_cast %mul3A_7 : vector<16xi32> to vector<16x1xi32>
      %gather3A_168 = vector.shape_cast %reshape3A_167 : vector<16x1xi32> to vector<16xi32>
      %gather3A_169 = tpu.dynamic_gather %get3A_165[%gather3A_168] in [0] : vector<16xi32>, vector<16xi32> -> vector<16xi32>
      %reshape3A_170 = vector.shape_cast %add3A_10 : vector<16xi32> to vector<16x1xi32>
      %gather3A_171 = vector.shape_cast %reshape3A_170 : vector<16x1xi32> to vector<16xi32>
      %gather3A_172 = tpu.dynamic_gather %get3A_157[%gather3A_171] in [0] : vector<16xi32>, vector<16xi32> -> vector<16xi32>
      %reshape3A_173 = vector.shape_cast %add3A_10 : vector<16xi32> to vector<16x1xi32>
      %gather3A_174 = vector.shape_cast %reshape3A_173 : vector<16x1xi32> to vector<16xi32>
      %gather3A_175 = tpu.dynamic_gather %get3A_165[%gather3A_174] in [0] : vector<16xi32>, vector<16xi32> -> vector<16xi32>
      %select_n3A = arith.select %lt3A_12, %gather3A_166, %gather3A_169 : vector<16xi1>, vector<16xi32>
      %mul3A_176 = arith.constant 16 : i32
      %mul3A_177 = arith.muli %scan3A_152, %mul3A_176 : i32
      %swap3A = arith.index_cast %mul3A_177 : i32 to index
      %swap3A_178 = tpu.vector_load %arg7[%swap3A] {strides = array<i32>} : memref<512xi32, #tpu.memory_space<vmem>>, vector<16xi32>,
      tpu.vector_store %arg7[%swap3A], %select_n3A {strides = array<i32>} : memref<512xi32, #tpu.memory_space<vmem>>, vector<16xi32>,
      %select_n3A_179 = arith.select %lt3A_12, %gather3A_172, %gather3A_175 : vector<16xi1>, vector<16xi32>
      %mul3A_180 = arith.constant 16 : i32
      %mul3A_181 = arith.muli %scan3A_152, %mul3A_180 : i32
      %swap3A_182 = arith.index_cast %mul3A_181 : i32 to index
      %swap3A_183 = tpu.vector_load %arg8[%swap3A_182] {strides = array<i32>} : memref<512xi32, #tpu.memory_space<vmem>>, vector<16xi32>,
      tpu.vector_store %arg8[%swap3A_182], %select_n3A_179 {strides = array<i32>} : memref<512xi32, #tpu.memory_space<vmem>>, vector<16xi32>,
    }
    %scan3A_17 = arith.constant 32 : i32
    %dma_start3A = arith.constant 0 : i32
    %dma_start3A_18 = arith.constant 0 : i32
    %dma_start3A_19 = tpu.memref_slice %arg9[%dma_start3A, %dma_start3A_18] : memref<512x32xf32, #tpu.memory_space<vmem>> -> memref<128x32xf32, #tpu.memory_space<vmem>>
    %dma_start3A_20 = arith.constant 0 : i32
    %dma_start3A_21 = tpu.memref_slice %arg7[%dma_start3A_20] : memref<512xi32, #tpu.memory_space<vmem>> -> memref<128xi32, #tpu.memory_space<vmem>>
    %dma_start3A_22 = arith.constant 0 : i32
    %dma_start3A_23 = arith.constant 0 : i32
    %dma_start3A_24 = tpu.memref_slice %arg3[%dma_start3A_22, %dma_start3A_23] : memref<1000000x32xf32, #tpu.memory_space<hbm>> -> memref<1000000x32xf32, #tpu.memory_space<hbm>>
    tpu.enqueue_indirect_dma source(%dma_start3A_24 : memref<1000000x32xf32, #tpu.memory_space<hbm>>) target(%dma_start3A_19 : memref<128x32xf32, #tpu.memory_space<vmem>>) offsets(%dma_start3A_21 : memref<128xi32, #tpu.memory_space<vmem>>) semaphore(%arg12 : memref<!tpu.dma_semaphore, #tpu.memory_space<semaphore_mem>>)
    %dma_start3A_25 = arith.constant 0 : i32
    %dma_start3A_26 = arith.constant 0 : i32
    %dma_start3A_27 = tpu.memref_slice %arg10[%dma_start3A_25, %dma_start3A_26] : memref<512x32xf32, #tpu.memory_space<vmem>> -> memref<128x32xf32, #tpu.memory_space<vmem>>
    %dma_start3A_28 = arith.constant 0 : i32
    %dma_start3A_29 = tpu.memref_slice %arg8[%dma_start3A_28] : memref<512xi32, #tpu.memory_space<vmem>> -> memref<128xi32, #tpu.memory_space<vmem>>
    %dma_start3A_30 = arith.constant 0 : i32
    %dma_start3A_31 = arith.constant 0 : i32
    %dma_start3A_32 = tpu.memref_slice %arg4[%dma_start3A_30, %dma_start3A_31] : memref<1000000x32xf32, #tpu.memory_space<hbm>> -> memref<1000000x32xf32, #tpu.memory_space<hbm>>
    tpu.enqueue_indirect_dma source(%dma_start3A_32 : memref<1000000x32xf32, #tpu.memory_space<hbm>>) target(%dma_start3A_27 : memref<128x32xf32, #tpu.memory_space<vmem>>) offsets(%dma_start3A_29 : memref<128xi32, #tpu.memory_space<vmem>>) semaphore(%arg12 : memref<!tpu.dma_semaphore, #tpu.memory_space<semaphore_mem>>)
    %dma_start3A_33 = arith.constant 128 : i32
    %dma_start3A_34 = arith.constant 0 : i32
    %dma_start3A_35 = tpu.memref_slice %arg9[%dma_start3A_33, %dma_start3A_34] : memref<512x32xf32, #tpu.memory_space<vmem>> -> memref<128x32xf32, #tpu.memory_space<vmem>>
    %dma_start3A_36 = arith.constant 128 : i32
    %dma_start3A_37 = tpu.memref_slice %arg7[%dma_start3A_36] : memref<512xi32, #tpu.memory_space<vmem>> -> memref<128xi32, #tpu.memory_space<vmem>>
    %dma_start3A_38 = arith.constant 0 : i32
    %dma_start3A_39 = arith.constant 0 : i32
    %dma_start3A_40 = tpu.memref_slice %arg3[%dma_start3A_38, %dma_start3A_39] : memref<1000000x32xf32, #tpu.memory_space<hbm>> -> memref<1000000x32xf32, #tpu.memory_space<hbm>>
    tpu.enqueue_indirect_dma source(%dma_start3A_40 : memref<1000000x32xf32, #tpu.memory_space<hbm>>) target(%dma_start3A_35 : memref<128x32xf32, #tpu.memory_space<vmem>>) offsets(%dma_start3A_37 : memref<128xi32, #tpu.memory_space<vmem>>) semaphore(%arg12 : memref<!tpu.dma_semaphore, #tpu.memory_space<semaphore_mem>>)
    %dma_start3A_41 = arith.constant 128 : i32
    %dma_start3A_42 = arith.constant 0 : i32
    %dma_start3A_43 = tpu.memref_slice %arg10[%dma_start3A_41, %dma_start3A_42] : memref<512x32xf32, #tpu.memory_space<vmem>> -> memref<128x32xf32, #tpu.memory_space<vmem>>
    %dma_start3A_44 = arith.constant 128 : i32
    %dma_start3A_45 = tpu.memref_slice %arg8[%dma_start3A_44] : memref<512xi32, #tpu.memory_space<vmem>> -> memref<128xi32, #tpu.memory_space<vmem>>
    %dma_start3A_46 = arith.constant 0 : i32
    %dma_start3A_47 = arith.constant 0 : i32
    %dma_start3A_48 = tpu.memref_slice %arg4[%dma_start3A_46, %dma_start3A_47] : memref<1000000x32xf32, #tpu.memory_space<hbm>> -> memref<1000000x32xf32, #tpu.memory_space<hbm>>
    tpu.enqueue_indirect_dma source(%dma_start3A_48 : memref<1000000x32xf32, #tpu.memory_space<hbm>>) target(%dma_start3A_43 : memref<128x32xf32, #tpu.memory_space<vmem>>) offsets(%dma_start3A_45 : memref<128xi32, #tpu.memory_space<vmem>>) semaphore(%arg12 : memref<!tpu.dma_semaphore, #tpu.memory_space<semaphore_mem>>)
    %dma_start3A_49 = arith.constant 256 : i32
    %dma_start3A_50 = arith.constant 0 : i32
    %dma_start3A_51 = tpu.memref_slice %arg9[%dma_start3A_49, %dma_start3A_50] : memref<512x32xf32, #tpu.memory_space<vmem>> -> memref<128x32xf32, #tpu.memory_space<vmem>>
    %dma_start3A_52 = arith.constant 256 : i32
    %dma_start3A_53 = tpu.memref_slice %arg7[%dma_start3A_52] : memref<512xi32, #tpu.memory_space<vmem>> -> memref<128xi32, #tpu.memory_space<vmem>>
    %dma_start3A_54 = arith.constant 0 : i32
    %dma_start3A_55 = arith.constant 0 : i32
    %dma_start3A_56 = tpu.memref_slice %arg3[%dma_start3A_54, %dma_start3A_55] : memref<1000000x32xf32, #tpu.memory_space<hbm>> -> memref<1000000x32xf32, #tpu.memory_space<hbm>>
    tpu.enqueue_indirect_dma source(%dma_start3A_56 : memref<1000000x32xf32, #tpu.memory_space<hbm>>) target(%dma_start3A_51 : memref<128x32xf32, #tpu.memory_space<vmem>>) offsets(%dma_start3A_53 : memref<128xi32, #tpu.memory_space<vmem>>) semaphore(%arg12 : memref<!tpu.dma_semaphore, #tpu.memory_space<semaphore_mem>>)
    %dma_start3A_57 = arith.constant 256 : i32
    %dma_start3A_58 = arith.constant 0 : i32
    %dma_start3A_59 = tpu.memref_slice %arg10[%dma_start3A_57, %dma_start3A_58] : memref<512x32xf32, #tpu.memory_space<vmem>> -> memref<128x32xf32, #tpu.memory_space<vmem>>
    %dma_start3A_60 = arith.constant 256 : i32
    %dma_start3A_61 = tpu.memref_slice %arg8[%dma_start3A_60] : memref<512xi32, #tpu.memory_space<vmem>> -> memref<128xi32, #tpu.memory_space<vmem>>
    %dma_start3A_62 = arith.constant 0 : i32
    %dma_start3A_63 = arith.constant 0 : i32
    %dma_start3A_64 = tpu.memref_slice %arg4[%dma_start3A_62, %dma_start3A_63] : memref<1000000x32xf32, #tpu.memory_space<hbm>> -> memref<1000000x32xf32, #tpu.memory_space<hbm>>
    tpu.enqueue_indirect_dma source(%dma_start3A_64 : memref<1000000x32xf32, #tpu.memory_space<hbm>>) target(%dma_start3A_59 : memref<128x32xf32, #tpu.memory_space<vmem>>) offsets(%dma_start3A_61 : memref<128xi32, #tpu.memory_space<vmem>>) semaphore(%arg12 : memref<!tpu.dma_semaphore, #tpu.memory_space<semaphore_mem>>)
    %dma_start3A_65 = arith.constant 384 : i32
    %dma_start3A_66 = arith.constant 0 : i32
    %dma_start3A_67 = tpu.memref_slice %arg9[%dma_start3A_65, %dma_start3A_66] : memref<512x32xf32, #tpu.memory_space<vmem>> -> memref<128x32xf32, #tpu.memory_space<vmem>>
    %dma_start3A_68 = arith.constant 384 : i32
    %dma_start3A_69 = tpu.memref_slice %arg7[%dma_start3A_68] : memref<512xi32, #tpu.memory_space<vmem>> -> memref<128xi32, #tpu.memory_space<vmem>>
    %dma_start3A_70 = arith.constant 0 : i32
    %dma_start3A_71 = arith.constant 0 : i32
    %dma_start3A_72 = tpu.memref_slice %arg3[%dma_start3A_70, %dma_start3A_71] : memref<1000000x32xf32, #tpu.memory_space<hbm>> -> memref<1000000x32xf32, #tpu.memory_space<hbm>>
    tpu.enqueue_indirect_dma source(%dma_start3A_72 : memref<1000000x32xf32, #tpu.memory_space<hbm>>) target(%dma_start3A_67 : memref<128x32xf32, #tpu.memory_space<vmem>>) offsets(%dma_start3A_69 : memref<128xi32, #tpu.memory_space<vmem>>) semaphore(%arg12 : memref<!tpu.dma_semaphore, #tpu.memory_space<semaphore_mem>>)
    %dma_start3A_73 = arith.constant 384 : i32
    %dma_start3A_74 = arith.constant 0 : i32
    %dma_start3A_75 = tpu.memref_slice %arg10[%dma_start3A_73, %dma_start3A_74] : memref<512x32xf32, #tpu.memory_space<vmem>> -> memref<128x32xf32, #tpu.memory_space<vmem>>
    %dma_start3A_76 = arith.constant 384 : i32
    %dma_start3A_77 = tpu.memref_slice %arg8[%dma_start3A_76] : memref<512xi32, #tpu.memory_space<vmem>> -> memref<128xi32, #tpu.memory_space<vmem>>
    %dma_start3A_78 = arith.constant 0 : i32
    %dma_start3A_79 = arith.constant 0 : i32
    %dma_start3A_80 = tpu.memref_slice %arg4[%dma_start3A_78, %dma_start3A_79] : memref<1000000x32xf32, #tpu.memory_space<hbm>> -> memref<1000000x32xf32, #tpu.memory_space<hbm>>
    tpu.enqueue_indirect_dma source(%dma_start3A_80 : memref<1000000x32xf32, #tpu.memory_space<hbm>>) target(%dma_start3A_75 : memref<128x32xf32, #tpu.memory_space<vmem>>) offsets(%dma_start3A_77 : memref<128xi32, #tpu.memory_space<vmem>>) semaphore(%arg12 : memref<!tpu.dma_semaphore, #tpu.memory_space<semaphore_mem>>)
    %dma_wait3A = arith.constant 0 : i32
    %dma_wait3A_81 = arith.constant 0 : i32
    %dma_wait3A_82 = tpu.memref_slice %arg9[%dma_wait3A, %dma_wait3A_81] : memref<512x32xf32, #tpu.memory_space<vmem>> -> memref<128x32xf32, #tpu.memory_space<vmem>>
    %dma_wait3A_83 = arith.constant 0 : i32
    %dma_wait3A_84 = tpu.memref_slice %arg7[%dma_wait3A_83] : memref<512xi32, #tpu.memory_space<vmem>> -> memref<128xi32, #tpu.memory_space<vmem>>
    %dma_wait3A_85 = arith.constant 0 : i32
    %dma_wait3A_86 = arith.constant 0 : i32
    %dma_wait3A_87 = tpu.memref_slice %arg3[%dma_wait3A_85, %dma_wait3A_86] : memref<1000000x32xf32, #tpu.memory_space<hbm>> -> memref<1000000x32xf32, #tpu.memory_space<hbm>>
    tpu.wait_indirect_dma semaphore(%arg12 : memref<!tpu.dma_semaphore, #tpu.memory_space<semaphore_mem>>) src(%dma_wait3A_87 : memref<1000000x32xf32, #tpu.memory_space<hbm>>) dst(%dma_wait3A_82 : memref<128x32xf32, #tpu.memory_space<vmem>>)
    %dma_wait3A_88 = arith.constant 0 : i32
    %dma_wait3A_89 = arith.constant 0 : i32
    %dma_wait3A_90 = tpu.memref_slice %arg10[%dma_wait3A_88, %dma_wait3A_89] : memref<512x32xf32, #tpu.memory_space<vmem>> -> memref<128x32xf32, #tpu.memory_space<vmem>>
    %dma_wait3A_91 = arith.constant 0 : i32
    %dma_wait3A_92 = tpu.memref_slice %arg8[%dma_wait3A_91] : memref<512xi32, #tpu.memory_space<vmem>> -> memref<128xi32, #tpu.memory_space<vmem>>
    %dma_wait3A_93 = arith.constant 0 : i32
    %dma_wait3A_94 = arith.constant 0 : i32
    %dma_wait3A_95 = tpu.memref_slice %arg4[%dma_wait3A_93, %dma_wait3A_94] : memref<1000000x32xf32, #tpu.memory_space<hbm>> -> memref<1000000x32xf32, #tpu.memory_space<hbm>>
    tpu.wait_indirect_dma semaphore(%arg12 : memref<!tpu.dma_semaphore, #tpu.memory_space<semaphore_mem>>) src(%dma_wait3A_95 : memref<1000000x32xf32, #tpu.memory_space<hbm>>) dst(%dma_wait3A_90 : memref<128x32xf32, #tpu.memory_space<vmem>>)
    %dma_wait3A_96 = arith.constant 128 : i32
    %dma_wait3A_97 = arith.constant 0 : i32
    %dma_wait3A_98 = tpu.memref_slice %arg9[%dma_wait3A_96, %dma_wait3A_97] : memref<512x32xf32, #tpu.memory_space<vmem>> -> memref<128x32xf32, #tpu.memory_space<vmem>>
    %dma_wait3A_99 = arith.constant 128 : i32
    %dma_wait3A_100 = tpu.memref_slice %arg7[%dma_wait3A_99] : memref<512xi32, #tpu.memory_space<vmem>> -> memref<128xi32, #tpu.memory_space<vmem>>
    %dma_wait3A_101 = arith.constant 0 : i32
    %dma_wait3A_102 = arith.constant 0 : i32
    %dma_wait3A_103 = tpu.memref_slice %arg3[%dma_wait3A_101, %dma_wait3A_102] : memref<1000000x32xf32, #tpu.memory_space<hbm>> -> memref<1000000x32xf32, #tpu.memory_space<hbm>>
    tpu.wait_indirect_dma semaphore(%arg12 : memref<!tpu.dma_semaphore, #tpu.memory_space<semaphore_mem>>) src(%dma_wait3A_103 : memref<1000000x32xf32, #tpu.memory_space<hbm>>) dst(%dma_wait3A_98 : memref<128x32xf32, #tpu.memory_space<vmem>>)
    %dma_wait3A_104 = arith.constant 128 : i32
    %dma_wait3A_105 = arith.constant 0 : i32
    %dma_wait3A_106 = tpu.memref_slice %arg10[%dma_wait3A_104, %dma_wait3A_105] : memref<512x32xf32, #tpu.memory_space<vmem>> -> memref<128x32xf32, #tpu.memory_space<vmem>>
    %dma_wait3A_107 = arith.constant 128 : i32
    %dma_wait3A_108 = tpu.memref_slice %arg8[%dma_wait3A_107] : memref<512xi32, #tpu.memory_space<vmem>> -> memref<128xi32, #tpu.memory_space<vmem>>
    %dma_wait3A_109 = arith.constant 0 : i32
    %dma_wait3A_110 = arith.constant 0 : i32
    %dma_wait3A_111 = tpu.memref_slice %arg4[%dma_wait3A_109, %dma_wait3A_110] : memref<1000000x32xf32, #tpu.memory_space<hbm>> -> memref<1000000x32xf32, #tpu.memory_space<hbm>>
    tpu.wait_indirect_dma semaphore(%arg12 : memref<!tpu.dma_semaphore, #tpu.memory_space<semaphore_mem>>) src(%dma_wait3A_111 : memref<1000000x32xf32, #tpu.memory_space<hbm>>) dst(%dma_wait3A_106 : memref<128x32xf32, #tpu.memory_space<vmem>>)
    %dma_wait3A_112 = arith.constant 256 : i32
    %dma_wait3A_113 = arith.constant 0 : i32
    %dma_wait3A_114 = tpu.memref_slice %arg9[%dma_wait3A_112, %dma_wait3A_113] : memref<512x32xf32, #tpu.memory_space<vmem>> -> memref<128x32xf32, #tpu.memory_space<vmem>>
    %dma_wait3A_115 = arith.constant 256 : i32
    %dma_wait3A_116 = tpu.memref_slice %arg7[%dma_wait3A_115] : memref<512xi32, #tpu.memory_space<vmem>> -> memref<128xi32, #tpu.memory_space<vmem>>
    %dma_wait3A_117 = arith.constant 0 : i32
    %dma_wait3A_118 = arith.constant 0 : i32
    %dma_wait3A_119 = tpu.memref_slice %arg3[%dma_wait3A_117, %dma_wait3A_118] : memref<1000000x32xf32, #tpu.memory_space<hbm>> -> memref<1000000x32xf32, #tpu.memory_space<hbm>>
    tpu.wait_indirect_dma semaphore(%arg12 : memref<!tpu.dma_semaphore, #tpu.memory_space<semaphore_mem>>) src(%dma_wait3A_119 : memref<1000000x32xf32, #tpu.memory_space<hbm>>) dst(%dma_wait3A_114 : memref<128x32xf32, #tpu.memory_space<vmem>>)
    %dma_wait3A_120 = arith.constant 256 : i32
    %dma_wait3A_121 = arith.constant 0 : i32
    %dma_wait3A_122 = tpu.memref_slice %arg10[%dma_wait3A_120, %dma_wait3A_121] : memref<512x32xf32, #tpu.memory_space<vmem>> -> memref<128x32xf32, #tpu.memory_space<vmem>>
    %dma_wait3A_123 = arith.constant 256 : i32
    %dma_wait3A_124 = tpu.memref_slice %arg8[%dma_wait3A_123] : memref<512xi32, #tpu.memory_space<vmem>> -> memref<128xi32, #tpu.memory_space<vmem>>
    %dma_wait3A_125 = arith.constant 0 : i32
    %dma_wait3A_126 = arith.constant 0 : i32
    %dma_wait3A_127 = tpu.memref_slice %arg4[%dma_wait3A_125, %dma_wait3A_126] : memref<1000000x32xf32, #tpu.memory_space<hbm>> -> memref<1000000x32xf32, #tpu.memory_space<hbm>>
    tpu.wait_indirect_dma semaphore(%arg12 : memref<!tpu.dma_semaphore, #tpu.memory_space<semaphore_mem>>) src(%dma_wait3A_127 : memref<1000000x32xf32, #tpu.memory_space<hbm>>) dst(%dma_wait3A_122 : memref<128x32xf32, #tpu.memory_space<vmem>>)
    %dma_wait3A_128 = arith.constant 384 : i32
    %dma_wait3A_129 = arith.constant 0 : i32
    %dma_wait3A_130 = tpu.memref_slice %arg9[%dma_wait3A_128, %dma_wait3A_129] : memref<512x32xf32, #tpu.memory_space<vmem>> -> memref<128x32xf32, #tpu.memory_space<vmem>>
    %dma_wait3A_131 = arith.constant 384 : i32
    %dma_wait3A_132 = tpu.memref_slice %arg7[%dma_wait3A_131] : memref<512xi32, #tpu.memory_space<vmem>> -> memref<128xi32, #tpu.memory_space<vmem>>
    %dma_wait3A_133 = arith.constant 0 : i32
    %dma_wait3A_134 = arith.constant 0 : i32
    %dma_wait3A_135 = tpu.memref_slice %arg3[%dma_wait3A_133, %dma_wait3A_134] : memref<1000000x32xf32, #tpu.memory_space<hbm>> -> memref<1000000x32xf32, #tpu.memory_space<hbm>>
    tpu.wait_indirect_dma semaphore(%arg12 : memref<!tpu.dma_semaphore, #tpu.memory_space<semaphore_mem>>) src(%dma_wait3A_135 : memref<1000000x32xf32, #tpu.memory_space<hbm>>) dst(%dma_wait3A_130 : memref<128x32xf32, #tpu.memory_space<vmem>>)
    %dma_wait3A_136 = arith.constant 384 : i32
    %dma_wait3A_137 = arith.constant 0 : i32
    %dma_wait3A_138 = tpu.memref_slice %arg10[%dma_wait3A_136, %dma_wait3A_137] : memref<512x32xf32, #tpu.memory_space<vmem>> -> memref<128x32xf32, #tpu.memory_space<vmem>>
    %dma_wait3A_139 = arith.constant 384 : i32
    %dma_wait3A_140 = tpu.memref_slice %arg8[%dma_wait3A_139] : memref<512xi32, #tpu.memory_space<vmem>> -> memref<128xi32, #tpu.memory_space<vmem>>
    %dma_wait3A_141 = arith.constant 0 : i32
    %dma_wait3A_142 = arith.constant 0 : i32
    %dma_wait3A_143 = tpu.memref_slice %arg4[%dma_wait3A_141, %dma_wait3A_142] : memref<1000000x32xf32, #tpu.memory_space<hbm>> -> memref<1000000x32xf32, #tpu.memory_space<hbm>>
    tpu.wait_indirect_dma semaphore(%arg12 : memref<!tpu.dma_semaphore, #tpu.memory_space<semaphore_mem>>) src(%dma_wait3A_143 : memref<1000000x32xf32, #tpu.memory_space<hbm>>) dst(%dma_wait3A_138 : memref<128x32xf32, #tpu.memory_space<vmem>>)
    %scan3A_144 = arith.constant 0 : i32
    %scan3A_145 = arith.constant 0 : i32
    %scan3A_146 = arith.constant 32 : i32
    %scan3A_147 = arith.addi %scan3A_145, %scan3A_146 : i32
    %scan3A_148 = arith.constant 1 : i32
    scf.for %scan3A_152 = %scan3A_145 to %scan3A_147 step %scan3A_148  : i32 {
      %broadcast_in_dim3A = arith.constant 0.000000e+00 : f32
      %broadcast_in_dim3A_153 = vector.broadcast %broadcast_in_dim3A : f32 to vector<16xf32>
      %mul3A_154 = arith.constant 16 : i32
      %mul3A_155 = arith.muli %scan3A_152, %mul3A_154 : i32
      %add3A_156 = arith.constant 0 : i32
      %add3A_157 = arith.addi %mul3A_155, %add3A_156 : i32
      %get3A = arith.index_cast %add3A_157 : i32 to index
      %get3A_158 = arith.constant 0 : index
      %get3A_159 = tpu.vector_load %arg9[%get3A, %get3A_158] {strides = array<i32>} : memref<512x32xf32, #tpu.memory_space<vmem>>, vector<16xf32>,
      %get3A_160 = arith.index_cast %add3A_157 : i32 to index
      %get3A_161 = arith.constant 16 : index
      %get3A_162 = tpu.vector_load %arg9[%get3A_160, %get3A_161] {strides = array<i32>} : memref<512x32xf32, #tpu.memory_space<vmem>>, vector<16xf32>,
      %get3A_163 = arith.index_cast %add3A_157 : i32 to index
      %get3A_164 = arith.constant 0 : index
      %get3A_165 = tpu.vector_load %arg10[%get3A_163, %get3A_164] {strides = array<i32>} : memref<512x32xf32, #tpu.memory_space<vmem>>, vector<16xf32>,
      %get3A_166 = arith.index_cast %add3A_157 : i32 to index
      %get3A_167 = arith.constant 16 : index
      %get3A_168 = tpu.vector_load %arg10[%get3A_166, %get3A_167] {strides = array<i32>} : memref<512x32xf32, #tpu.memory_space<vmem>>, vector<16xf32>,
      %mul3A_169 = arith.mulf %get3A_159, %get3A_165 : vector<16xf32>
      %mul3A_170 = arith.mulf %get3A_162, %get3A_168 : vector<16xf32>
      %add3A_171 = arith.addf %mul3A_169, %mul3A_170 : vector<16xf32>
      %eq3A = arith.constant 0 : i32
      %eq3A_172 = vector.broadcast %eq3A : i32 to vector<16xi32>
      %eq3A_173 = arith.cmpi eq, %iota3A, %eq3A_172 : vector<16xi32>
      %reduce_sum3A = arith.constant true
      %reduce_sum3A_174 = vector.broadcast %reduce_sum3A : i1 to vector<16xi1>
      %reduce_sum3A_175 = tpu.scan <sum>, %add3A_171 masked %reduce_sum3A_174 : vector<16xf32>, vector<16xi1> -> vector<16xf32>
      %reduce_sum3A_176 = vector.extract %reduce_sum3A_175[15] : f32 from vector<16xf32>
      %broadcast_in_dim3A_177 = vector.broadcast %reduce_sum3A_176 : f32 to vector<16xf32>
      %select_n3A = arith.select %eq3A_173, %broadcast_in_dim3A_177, %broadcast_in_dim3A_153 : vector<16xi1>, vector<16xf32>
      %mul3A_178 = arith.constant 16 : i32
      %mul3A_179 = arith.muli %scan3A_152, %mul3A_178 : i32
      %add3A_180 = arith.constant 1 : i32
      %add3A_181 = arith.addi %mul3A_179, %add3A_180 : i32
      %get3A_182 = arith.index_cast %add3A_181 : i32 to index
      %get3A_183 = arith.constant 0 : index
      %get3A_184 = tpu.vector_load %arg9[%get3A_182, %get3A_183] {strides = array<i32>} : memref<512x32xf32, #tpu.memory_space<vmem>>, vector<16xf32>,
      %get3A_185 = arith.index_cast %add3A_181 : i32 to index
      %get3A_186 = arith.constant 16 : index
      %get3A_187 = tpu.vector_load %arg9[%get3A_185, %get3A_186] {strides = array<i32>} : memref<512x32xf32, #tpu.memory_space<vmem>>, vector<16xf32>,
      %get3A_188 = arith.index_cast %add3A_181 : i32 to index
      %get3A_189 = arith.constant 0 : index
      %get3A_190 = tpu.vector_load %arg10[%get3A_188, %get3A_189] {strides = array<i32>} : memref<512x32xf32, #tpu.memory_space<vmem>>, vector<16xf32>,
      %get3A_191 = arith.index_cast %add3A_181 : i32 to index
      %get3A_192 = arith.constant 16 : index
      %get3A_193 = tpu.vector_load %arg10[%get3A_191, %get3A_192] {strides = array<i32>} : memref<512x32xf32, #tpu.memory_space<vmem>>, vector<16xf32>,
      %mul3A_194 = arith.mulf %get3A_184, %get3A_190 : vector<16xf32>
      %mul3A_195 = arith.mulf %get3A_187, %get3A_193 : vector<16xf32>
      %add3A_196 = arith.addf %mul3A_194, %mul3A_195 : vector<16xf32>
      %eq3A_197 = arith.constant 1 : i32
      %eq3A_198 = vector.broadcast %eq3A_197 : i32 to vector<16xi32>
      %eq3A_199 = arith.cmpi eq, %iota3A, %eq3A_198 : vector<16xi32>
      %reduce_sum3A_200 = arith.constant true
      %reduce_sum3A_201 = vector.broadcast %reduce_sum3A_200 : i1 to vector<16xi1>
      %reduce_sum3A_202 = tpu.scan <sum>, %add3A_196 masked %reduce_sum3A_201 : vector<16xf32>, vector<16xi1> -> vector<16xf32>
      %reduce_sum3A_203 = vector.extract %reduce_sum3A_202[15] : f32 from vector<16xf32>
      %broadcast_in_dim3A_204 = vector.broadcast %reduce_sum3A_203 : f32 to vector<16xf32>
      %select_n3A_205 = arith.select %eq3A_199, %broadcast_in_dim3A_204, %select_n3A : vector<16xi1>, vector<16xf32>
      %mul3A_206 = arith.constant 16 : i32
      %mul3A_207 = arith.muli %scan3A_152, %mul3A_206 : i32
      %add3A_208 = arith.constant 2 : i32
      %add3A_209 = arith.addi %mul3A_207, %add3A_208 : i32
      %get3A_210 = arith.index_cast %add3A_209 : i32 to index
      %get3A_211 = arith.constant 0 : index
      %get3A_212 = tpu.vector_load %arg9[%get3A_210, %get3A_211] {strides = array<i32>} : memref<512x32xf32, #tpu.memory_space<vmem>>, vector<16xf32>,
      %get3A_213 = arith.index_cast %add3A_209 : i32 to index
      %get3A_214 = arith.constant 16 : index
      %get3A_215 = tpu.vector_load %arg9[%get3A_213, %get3A_214] {strides = array<i32>} : memref<512x32xf32, #tpu.memory_space<vmem>>, vector<16xf32>,
      %get3A_216 = arith.index_cast %add3A_209 : i32 to index
      %get3A_217 = arith.constant 0 : index
      %get3A_218 = tpu.vector_load %arg10[%get3A_216, %get3A_217] {strides = array<i32>} : memref<512x32xf32, #tpu.memory_space<vmem>>, vector<16xf32>,
      %get3A_219 = arith.index_cast %add3A_209 : i32 to index
      %get3A_220 = arith.constant 16 : index
      %get3A_221 = tpu.vector_load %arg10[%get3A_219, %get3A_220] {strides = array<i32>} : memref<512x32xf32, #tpu.memory_space<vmem>>, vector<16xf32>,
      %mul3A_222 = arith.mulf %get3A_212, %get3A_218 : vector<16xf32>
      %mul3A_223 = arith.mulf %get3A_215, %get3A_221 : vector<16xf32>
      %add3A_224 = arith.addf %mul3A_222, %mul3A_223 : vector<16xf32>
      %eq3A_225 = arith.constant 2 : i32
      %eq3A_226 = vector.broadcast %eq3A_225 : i32 to vector<16xi32>
      %eq3A_227 = arith.cmpi eq, %iota3A, %eq3A_226 : vector<16xi32>
      %reduce_sum3A_228 = arith.constant true
      %reduce_sum3A_229 = vector.broadcast %reduce_sum3A_228 : i1 to vector<16xi1>
      %reduce_sum3A_230 = tpu.scan <sum>, %add3A_224 masked %reduce_sum3A_229 : vector<16xf32>, vector<16xi1> -> vector<16xf32>
      %reduce_sum3A_231 = vector.extract %reduce_sum3A_230[15] : f32 from vector<16xf32>
      %broadcast_in_dim3A_232 = vector.broadcast %reduce_sum3A_231 : f32 to vector<16xf32>
      %select_n3A_233 = arith.select %eq3A_227, %broadcast_in_dim3A_232, %select_n3A_205 : vector<16xi1>, vector<16xf32>
      %mul3A_234 = arith.constant 16 : i32
      %mul3A_235 = arith.muli %scan3A_152, %mul3A_234 : i32
      %add3A_236 = arith.constant 3 : i32
      %add3A_237 = arith.addi %mul3A_235, %add3A_236 : i32
      %get3A_238 = arith.index_cast %add3A_237 : i32 to index
      %get3A_239 = arith.constant 0 : index
      %get3A_240 = tpu.vector_load %arg9[%get3A_238, %get3A_239] {strides = array<i32>} : memref<512x32xf32, #tpu.memory_space<vmem>>, vector<16xf32>,
      %get3A_241 = arith.index_cast %add3A_237 : i32 to index
      %get3A_242 = arith.constant 16 : index
      %get3A_243 = tpu.vector_load %arg9[%get3A_241, %get3A_242] {strides = array<i32>} : memref<512x32xf32, #tpu.memory_space<vmem>>, vector<16xf32>,
      %get3A_244 = arith.index_cast %add3A_237 : i32 to index
      %get3A_245 = arith.constant 0 : index
      %get3A_246 = tpu.vector_load %arg10[%get3A_244, %get3A_245] {strides = array<i32>} : memref<512x32xf32, #tpu.memory_space<vmem>>, vector<16xf32>,
      %get3A_247 = arith.index_cast %add3A_237 : i32 to index
      %get3A_248 = arith.constant 16 : index
      %get3A_249 = tpu.vector_load %arg10[%get3A_247, %get3A_248] {strides = array<i32>} : memref<512x32xf32, #tpu.memory_space<vmem>>, vector<16xf32>,
      %mul3A_250 = arith.mulf %get3A_240, %get3A_246 : vector<16xf32>
      %mul3A_251 = arith.mulf %get3A_243, %get3A_249 : vector<16xf32>
      %add3A_252 = arith.addf %mul3A_250, %mul3A_251 : vector<16xf32>
      %eq3A_253 = arith.constant 3 : i32
      %eq3A_254 = vector.broadcast %eq3A_253 : i32 to vector<16xi32>
      %eq3A_255 = arith.cmpi eq, %iota3A, %eq3A_254 : vector<16xi32>
      %reduce_sum3A_256 = arith.constant true
      %reduce_sum3A_257 = vector.broadcast %reduce_sum3A_256 : i1 to vector<16xi1>
      %reduce_sum3A_258 = tpu.scan <sum>, %add3A_252 masked %reduce_sum3A_257 : vector<16xf32>, vector<16xi1> -> vector<16xf32>
      %reduce_sum3A_259 = vector.extract %reduce_sum3A_258[15] : f32 from vector<16xf32>
      %broadcast_in_dim3A_260 = vector.broadcast %reduce_sum3A_259 : f32 to vector<16xf32>
      %select_n3A_261 = arith.select %eq3A_255, %broadcast_in_dim3A_260, %select_n3A_233 : vector<16xi1>, vector<16xf32>
      %mul3A_262 = arith.constant 16 : i32
      %mul3A_263 = arith.muli %scan3A_152, %mul3A_262 : i32
      %add3A_264 = arith.constant 4 : i32
      %add3A_265 = arith.addi %mul3A_263, %add3A_264 : i32
      %get3A_266 = arith.index_cast %add3A_265 : i32 to index
      %get3A_267 = arith.constant 0 : index
      %get3A_268 = tpu.vector_load %arg9[%get3A_266, %get3A_267] {strides = array<i32>} : memref<512x32xf32, #tpu.memory_space<vmem>>, vector<16xf32>,
      %get3A_269 = arith.index_cast %add3A_265 : i32 to index
      %get3A_270 = arith.constant 16 : index
      %get3A_271 = tpu.vector_load %arg9[%get3A_269, %get3A_270] {strides = array<i32>} : memref<512x32xf32, #tpu.memory_space<vmem>>, vector<16xf32>,
      %get3A_272 = arith.index_cast %add3A_265 : i32 to index
      %get3A_273 = arith.constant 0 : index
      %get3A_274 = tpu.vector_load %arg10[%get3A_272, %get3A_273] {strides = array<i32>} : memref<512x32xf32, #tpu.memory_space<vmem>>, vector<16xf32>,
      %get3A_275 = arith.index_cast %add3A_265 : i32 to index
      %get3A_276 = arith.constant 16 : index
      %get3A_277 = tpu.vector_load %arg10[%get3A_275, %get3A_276] {strides = array<i32>} : memref<512x32xf32, #tpu.memory_space<vmem>>, vector<16xf32>,
      %mul3A_278 = arith.mulf %get3A_268, %get3A_274 : vector<16xf32>
      %mul3A_279 = arith.mulf %get3A_271, %get3A_277 : vector<16xf32>
      %add3A_280 = arith.addf %mul3A_278, %mul3A_279 : vector<16xf32>
      %eq3A_281 = arith.constant 4 : i32
      %eq3A_282 = vector.broadcast %eq3A_281 : i32 to vector<16xi32>
      %eq3A_283 = arith.cmpi eq, %iota3A, %eq3A_282 : vector<16xi32>
      %reduce_sum3A_284 = arith.constant true
      %reduce_sum3A_285 = vector.broadcast %reduce_sum3A_284 : i1 to vector<16xi1>
      %reduce_sum3A_286 = tpu.scan <sum>, %add3A_280 masked %reduce_sum3A_285 : vector<16xf32>, vector<16xi1> -> vector<16xf32>
      %reduce_sum3A_287 = vector.extract %reduce_sum3A_286[15] : f32 from vector<16xf32>
      %broadcast_in_dim3A_288 = vector.broadcast %reduce_sum3A_287 : f32 to vector<16xf32>
      %select_n3A_289 = arith.select %eq3A_283, %broadcast_in_dim3A_288, %select_n3A_261 : vector<16xi1>, vector<16xf32>
      %mul3A_290 = arith.constant 16 : i32
      %mul3A_291 = arith.muli %scan3A_152, %mul3A_290 : i32
      %add3A_292 = arith.constant 5 : i32
      %add3A_293 = arith.addi %mul3A_291, %add3A_292 : i32
      %get3A_294 = arith.index_cast %add3A_293 : i32 to index
      %get3A_295 = arith.constant 0 : index
      %get3A_296 = tpu.vector_load %arg9[%get3A_294, %get3A_295] {strides = array<i32>} : memref<512x32xf32, #tpu.memory_space<vmem>>, vector<16xf32>,
      %get3A_297 = arith.index_cast %add3A_293 : i32 to index
      %get3A_298 = arith.constant 16 : index
      %get3A_299 = tpu.vector_load %arg9[%get3A_297, %get3A_298] {strides = array<i32>} : memref<512x32xf32, #tpu.memory_space<vmem>>, vector<16xf32>,
      %get3A_300 = arith.index_cast %add3A_293 : i32 to index
      %get3A_301 = arith.constant 0 : index
      %get3A_302 = tpu.vector_load %arg10[%get3A_300, %get3A_301] {strides = array<i32>} : memref<512x32xf32, #tpu.memory_space<vmem>>, vector<16xf32>,
      %get3A_303 = arith.index_cast %add3A_293 : i32 to index
      %get3A_304 = arith.constant 16 : index
      %get3A_305 = tpu.vector_load %arg10[%get3A_303, %get3A_304] {strides = array<i32>} : memref<512x32xf32, #tpu.memory_space<vmem>>, vector<16xf32>,
      %mul3A_306 = arith.mulf %get3A_296, %get3A_302 : vector<16xf32>
      %mul3A_307 = arith.mulf %get3A_299, %get3A_305 : vector<16xf32>
      %add3A_308 = arith.addf %mul3A_306, %mul3A_307 : vector<16xf32>
      %eq3A_309 = arith.constant 5 : i32
      %eq3A_310 = vector.broadcast %eq3A_309 : i32 to vector<16xi32>
      %eq3A_311 = arith.cmpi eq, %iota3A, %eq3A_310 : vector<16xi32>
      %reduce_sum3A_312 = arith.constant true
      %reduce_sum3A_313 = vector.broadcast %reduce_sum3A_312 : i1 to vector<16xi1>
      %reduce_sum3A_314 = tpu.scan <sum>, %add3A_308 masked %reduce_sum3A_313 : vector<16xf32>, vector<16xi1> -> vector<16xf32>
      %reduce_sum3A_315 = vector.extract %reduce_sum3A_314[15] : f32 from vector<16xf32>
      %broadcast_in_dim3A_316 = vector.broadcast %reduce_sum3A_315 : f32 to vector<16xf32>
      %select_n3A_317 = arith.select %eq3A_311, %broadcast_in_dim3A_316, %select_n3A_289 : vector<16xi1>, vector<16xf32>
      %mul3A_318 = arith.constant 16 : i32
      %mul3A_319 = arith.muli %scan3A_152, %mul3A_318 : i32
      %add3A_320 = arith.constant 6 : i32
      %add3A_321 = arith.addi %mul3A_319, %add3A_320 : i32
      %get3A_322 = arith.index_cast %add3A_321 : i32 to index
      %get3A_323 = arith.constant 0 : index
      %get3A_324 = tpu.vector_load %arg9[%get3A_322, %get3A_323] {strides = array<i32>} : memref<512x32xf32, #tpu.memory_space<vmem>>, vector<16xf32>,
      %get3A_325 = arith.index_cast %add3A_321 : i32 to index
      %get3A_326 = arith.constant 16 : index
      %get3A_327 = tpu.vector_load %arg9[%get3A_325, %get3A_326] {strides = array<i32>} : memref<512x32xf32, #tpu.memory_space<vmem>>, vector<16xf32>,
      %get3A_328 = arith.index_cast %add3A_321 : i32 to index
      %get3A_329 = arith.constant 0 : index
      %get3A_330 = tpu.vector_load %arg10[%get3A_328, %get3A_329] {strides = array<i32>} : memref<512x32xf32, #tpu.memory_space<vmem>>, vector<16xf32>,
      %get3A_331 = arith.index_cast %add3A_321 : i32 to index
      %get3A_332 = arith.constant 16 : index
      %get3A_333 = tpu.vector_load %arg10[%get3A_331, %get3A_332] {strides = array<i32>} : memref<512x32xf32, #tpu.memory_space<vmem>>, vector<16xf32>,
      %mul3A_334 = arith.mulf %get3A_324, %get3A_330 : vector<16xf32>
      %mul3A_335 = arith.mulf %get3A_327, %get3A_333 : vector<16xf32>
      %add3A_336 = arith.addf %mul3A_334, %mul3A_335 : vector<16xf32>
      %eq3A_337 = arith.constant 6 : i32
      %eq3A_338 = vector.broadcast %eq3A_337 : i32 to vector<16xi32>
      %eq3A_339 = arith.cmpi eq, %iota3A, %eq3A_338 : vector<16xi32>
      %reduce_sum3A_340 = arith.constant true
      %reduce_sum3A_341 = vector.broadcast %reduce_sum3A_340 : i1 to vector<16xi1>
      %reduce_sum3A_342 = tpu.scan <sum>, %add3A_336 masked %reduce_sum3A_341 : vector<16xf32>, vector<16xi1> -> vector<16xf32>
      %reduce_sum3A_343 = vector.extract %reduce_sum3A_342[15] : f32 from vector<16xf32>
      %broadcast_in_dim3A_344 = vector.broadcast %reduce_sum3A_343 : f32 to vector<16xf32>
      %select_n3A_345 = arith.select %eq3A_339, %broadcast_in_dim3A_344, %select_n3A_317 : vector<16xi1>, vector<16xf32>
      %mul3A_346 = arith.constant 16 : i32
      %mul3A_347 = arith.muli %scan3A_152, %mul3A_346 : i32
      %add3A_348 = arith.constant 7 : i32
      %add3A_349 = arith.addi %mul3A_347, %add3A_348 : i32
      %get3A_350 = arith.index_cast %add3A_349 : i32 to index
      %get3A_351 = arith.constant 0 : index
      %get3A_352 = tpu.vector_load %arg9[%get3A_350, %get3A_351] {strides = array<i32>} : memref<512x32xf32, #tpu.memory_space<vmem>>, vector<16xf32>,
      %get3A_353 = arith.index_cast %add3A_349 : i32 to index
      %get3A_354 = arith.constant 16 : index
      %get3A_355 = tpu.vector_load %arg9[%get3A_353, %get3A_354] {strides = array<i32>} : memref<512x32xf32, #tpu.memory_space<vmem>>, vector<16xf32>,
      %get3A_356 = arith.index_cast %add3A_349 : i32 to index
      %get3A_357 = arith.constant 0 : index
      %get3A_358 = tpu.vector_load %arg10[%get3A_356, %get3A_357] {strides = array<i32>} : memref<512x32xf32, #tpu.memory_space<vmem>>, vector<16xf32>,
      %get3A_359 = arith.index_cast %add3A_349 : i32 to index
      %get3A_360 = arith.constant 16 : index
      %get3A_361 = tpu.vector_load %arg10[%get3A_359, %get3A_360] {strides = array<i32>} : memref<512x32xf32, #tpu.memory_space<vmem>>, vector<16xf32>,
      %mul3A_362 = arith.mulf %get3A_352, %get3A_358 : vector<16xf32>
      %mul3A_363 = arith.mulf %get3A_355, %get3A_361 : vector<16xf32>
      %add3A_364 = arith.addf %mul3A_362, %mul3A_363 : vector<16xf32>
      %eq3A_365 = arith.constant 7 : i32
      %eq3A_366 = vector.broadcast %eq3A_365 : i32 to vector<16xi32>
      %eq3A_367 = arith.cmpi eq, %iota3A, %eq3A_366 : vector<16xi32>
      %reduce_sum3A_368 = arith.constant true
      %reduce_sum3A_369 = vector.broadcast %reduce_sum3A_368 : i1 to vector<16xi1>
      %reduce_sum3A_370 = tpu.scan <sum>, %add3A_364 masked %reduce_sum3A_369 : vector<16xf32>, vector<16xi1> -> vector<16xf32>
      %reduce_sum3A_371 = vector.extract %reduce_sum3A_370[15] : f32 from vector<16xf32>
      %broadcast_in_dim3A_372 = vector.broadcast %reduce_sum3A_371 : f32 to vector<16xf32>
      %select_n3A_373 = arith.select %eq3A_367, %broadcast_in_dim3A_372, %select_n3A_345 : vector<16xi1>, vector<16xf32>
      %mul3A_374 = arith.constant 16 : i32
      %mul3A_375 = arith.muli %scan3A_152, %mul3A_374 : i32
      %add3A_376 = arith.constant 8 : i32
      %add3A_377 = arith.addi %mul3A_375, %add3A_376 : i32
      %get3A_378 = arith.index_cast %add3A_377 : i32 to index
      %get3A_379 = arith.constant 0 : index
      %get3A_380 = tpu.vector_load %arg9[%get3A_378, %get3A_379] {strides = array<i32>} : memref<512x32xf32, #tpu.memory_space<vmem>>, vector<16xf32>,
      %get3A_381 = arith.index_cast %add3A_377 : i32 to index
      %get3A_382 = arith.constant 16 : index
      %get3A_383 = tpu.vector_load %arg9[%get3A_381, %get3A_382] {strides = array<i32>} : memref<512x32xf32, #tpu.memory_space<vmem>>, vector<16xf32>,
      %get3A_384 = arith.index_cast %add3A_377 : i32 to index
      %get3A_385 = arith.constant 0 : index
      %get3A_386 = tpu.vector_load %arg10[%get3A_384, %get3A_385] {strides = array<i32>} : memref<512x32xf32, #tpu.memory_space<vmem>>, vector<16xf32>,
      %get3A_387 = arith.index_cast %add3A_377 : i32 to index
      %get3A_388 = arith.constant 16 : index
      %get3A_389 = tpu.vector_load %arg10[%get3A_387, %get3A_388] {strides = array<i32>} : memref<512x32xf32, #tpu.memory_space<vmem>>, vector<16xf32>,
      %mul3A_390 = arith.mulf %get3A_380, %get3A_386 : vector<16xf32>
      %mul3A_391 = arith.mulf %get3A_383, %get3A_389 : vector<16xf32>
      %add3A_392 = arith.addf %mul3A_390, %mul3A_391 : vector<16xf32>
      %eq3A_393 = arith.constant 8 : i32
      %eq3A_394 = vector.broadcast %eq3A_393 : i32 to vector<16xi32>
      %eq3A_395 = arith.cmpi eq, %iota3A, %eq3A_394 : vector<16xi32>
      %reduce_sum3A_396 = arith.constant true
      %reduce_sum3A_397 = vector.broadcast %reduce_sum3A_396 : i1 to vector<16xi1>
      %reduce_sum3A_398 = tpu.scan <sum>, %add3A_392 masked %reduce_sum3A_397 : vector<16xf32>, vector<16xi1> -> vector<16xf32>
      %reduce_sum3A_399 = vector.extract %reduce_sum3A_398[15] : f32 from vector<16xf32>
      %broadcast_in_dim3A_400 = vector.broadcast %reduce_sum3A_399 : f32 to vector<16xf32>
      %select_n3A_401 = arith.select %eq3A_395, %broadcast_in_dim3A_400, %select_n3A_373 : vector<16xi1>, vector<16xf32>
      %mul3A_402 = arith.constant 16 : i32
      %mul3A_403 = arith.muli %scan3A_152, %mul3A_402 : i32
      %add3A_404 = arith.constant 9 : i32
      %add3A_405 = arith.addi %mul3A_403, %add3A_404 : i32
      %get3A_406 = arith.index_cast %add3A_405 : i32 to index
      %get3A_407 = arith.constant 0 : index
      %get3A_408 = tpu.vector_load %arg9[%get3A_406, %get3A_407] {strides = array<i32>} : memref<512x32xf32, #tpu.memory_space<vmem>>, vector<16xf32>,
      %get3A_409 = arith.index_cast %add3A_405 : i32 to index
      %get3A_410 = arith.constant 16 : index
      %get3A_411 = tpu.vector_load %arg9[%get3A_409, %get3A_410] {strides = array<i32>} : memref<512x32xf32, #tpu.memory_space<vmem>>, vector<16xf32>,
      %get3A_412 = arith.index_cast %add3A_405 : i32 to index
      %get3A_413 = arith.constant 0 : index
      %get3A_414 = tpu.vector_load %arg10[%get3A_412, %get3A_413] {strides = array<i32>} : memref<512x32xf32, #tpu.memory_space<vmem>>, vector<16xf32>,
      %get3A_415 = arith.index_cast %add3A_405 : i32 to index
      %get3A_416 = arith.constant 16 : index
      %get3A_417 = tpu.vector_load %arg10[%get3A_415, %get3A_416] {strides = array<i32>} : memref<512x32xf32, #tpu.memory_space<vmem>>, vector<16xf32>,
      %mul3A_418 = arith.mulf %get3A_408, %get3A_414 : vector<16xf32>
      %mul3A_419 = arith.mulf %get3A_411, %get3A_417 : vector<16xf32>
      %add3A_420 = arith.addf %mul3A_418, %mul3A_419 : vector<16xf32>
      %eq3A_421 = arith.constant 9 : i32
      %eq3A_422 = vector.broadcast %eq3A_421 : i32 to vector<16xi32>
      %eq3A_423 = arith.cmpi eq, %iota3A, %eq3A_422 : vector<16xi32>
      %reduce_sum3A_424 = arith.constant true
      %reduce_sum3A_425 = vector.broadcast %reduce_sum3A_424 : i1 to vector<16xi1>
      %reduce_sum3A_426 = tpu.scan <sum>, %add3A_420 masked %reduce_sum3A_425 : vector<16xf32>, vector<16xi1> -> vector<16xf32>
      %reduce_sum3A_427 = vector.extract %reduce_sum3A_426[15] : f32 from vector<16xf32>
      %broadcast_in_dim3A_428 = vector.broadcast %reduce_sum3A_427 : f32 to vector<16xf32>
      %select_n3A_429 = arith.select %eq3A_423, %broadcast_in_dim3A_428, %select_n3A_401 : vector<16xi1>, vector<16xf32>
      %mul3A_430 = arith.constant 16 : i32
      %mul3A_431 = arith.muli %scan3A_152, %mul3A_430 : i32
      %add3A_432 = arith.constant 10 : i32
      %add3A_433 = arith.addi %mul3A_431, %add3A_432 : i32
      %get3A_434 = arith.index_cast %add3A_433 : i32 to index
      %get3A_435 = arith.constant 0 : index
      %get3A_436 = tpu.vector_load %arg9[%get3A_434, %get3A_435] {strides = array<i32>} : memref<512x32xf32, #tpu.memory_space<vmem>>, vector<16xf32>,
      %get3A_437 = arith.index_cast %add3A_433 : i32 to index
      %get3A_438 = arith.constant 16 : index
      %get3A_439 = tpu.vector_load %arg9[%get3A_437, %get3A_438] {strides = array<i32>} : memref<512x32xf32, #tpu.memory_space<vmem>>, vector<16xf32>,
      %get3A_440 = arith.index_cast %add3A_433 : i32 to index
      %get3A_441 = arith.constant 0 : index
      %get3A_442 = tpu.vector_load %arg10[%get3A_440, %get3A_441] {strides = array<i32>} : memref<512x32xf32, #tpu.memory_space<vmem>>, vector<16xf32>,
      %get3A_443 = arith.index_cast %add3A_433 : i32 to index
      %get3A_444 = arith.constant 16 : index
      %get3A_445 = tpu.vector_load %arg10[%get3A_443, %get3A_444] {strides = array<i32>} : memref<512x32xf32, #tpu.memory_space<vmem>>, vector<16xf32>,
      %mul3A_446 = arith.mulf %get3A_436, %get3A_442 : vector<16xf32>
      %mul3A_447 = arith.mulf %get3A_439, %get3A_445 : vector<16xf32>
      %add3A_448 = arith.addf %mul3A_446, %mul3A_447 : vector<16xf32>
      %eq3A_449 = arith.constant 10 : i32
      %eq3A_450 = vector.broadcast %eq3A_449 : i32 to vector<16xi32>
      %eq3A_451 = arith.cmpi eq, %iota3A, %eq3A_450 : vector<16xi32>
      %reduce_sum3A_452 = arith.constant true
      %reduce_sum3A_453 = vector.broadcast %reduce_sum3A_452 : i1 to vector<16xi1>
      %reduce_sum3A_454 = tpu.scan <sum>, %add3A_448 masked %reduce_sum3A_453 : vector<16xf32>, vector<16xi1> -> vector<16xf32>
      %reduce_sum3A_455 = vector.extract %reduce_sum3A_454[15] : f32 from vector<16xf32>
      %broadcast_in_dim3A_456 = vector.broadcast %reduce_sum3A_455 : f32 to vector<16xf32>
      %select_n3A_457 = arith.select %eq3A_451, %broadcast_in_dim3A_456, %select_n3A_429 : vector<16xi1>, vector<16xf32>
      %mul3A_458 = arith.constant 16 : i32
      %mul3A_459 = arith.muli %scan3A_152, %mul3A_458 : i32
      %add3A_460 = arith.constant 11 : i32
      %add3A_461 = arith.addi %mul3A_459, %add3A_460 : i32
      %get3A_462 = arith.index_cast %add3A_461 : i32 to index
      %get3A_463 = arith.constant 0 : index
      %get3A_464 = tpu.vector_load %arg9[%get3A_462, %get3A_463] {strides = array<i32>} : memref<512x32xf32, #tpu.memory_space<vmem>>, vector<16xf32>,
      %get3A_465 = arith.index_cast %add3A_461 : i32 to index
      %get3A_466 = arith.constant 16 : index
      %get3A_467 = tpu.vector_load %arg9[%get3A_465, %get3A_466] {strides = array<i32>} : memref<512x32xf32, #tpu.memory_space<vmem>>, vector<16xf32>,
      %get3A_468 = arith.index_cast %add3A_461 : i32 to index
      %get3A_469 = arith.constant 0 : index
      %get3A_470 = tpu.vector_load %arg10[%get3A_468, %get3A_469] {strides = array<i32>} : memref<512x32xf32, #tpu.memory_space<vmem>>, vector<16xf32>,
      %get3A_471 = arith.index_cast %add3A_461 : i32 to index
      %get3A_472 = arith.constant 16 : index
      %get3A_473 = tpu.vector_load %arg10[%get3A_471, %get3A_472] {strides = array<i32>} : memref<512x32xf32, #tpu.memory_space<vmem>>, vector<16xf32>,
      %mul3A_474 = arith.mulf %get3A_464, %get3A_470 : vector<16xf32>
      %mul3A_475 = arith.mulf %get3A_467, %get3A_473 : vector<16xf32>
      %add3A_476 = arith.addf %mul3A_474, %mul3A_475 : vector<16xf32>
      %eq3A_477 = arith.constant 11 : i32
      %eq3A_478 = vector.broadcast %eq3A_477 : i32 to vector<16xi32>
      %eq3A_479 = arith.cmpi eq, %iota3A, %eq3A_478 : vector<16xi32>
      %reduce_sum3A_480 = arith.constant true
      %reduce_sum3A_481 = vector.broadcast %reduce_sum3A_480 : i1 to vector<16xi1>
      %reduce_sum3A_482 = tpu.scan <sum>, %add3A_476 masked %reduce_sum3A_481 : vector<16xf32>, vector<16xi1> -> vector<16xf32>
      %reduce_sum3A_483 = vector.extract %reduce_sum3A_482[15] : f32 from vector<16xf32>
      %broadcast_in_dim3A_484 = vector.broadcast %reduce_sum3A_483 : f32 to vector<16xf32>
      %select_n3A_485 = arith.select %eq3A_479, %broadcast_in_dim3A_484, %select_n3A_457 : vector<16xi1>, vector<16xf32>
      %mul3A_486 = arith.constant 16 : i32
      %mul3A_487 = arith.muli %scan3A_152, %mul3A_486 : i32
      %add3A_488 = arith.constant 12 : i32
      %add3A_489 = arith.addi %mul3A_487, %add3A_488 : i32
      %get3A_490 = arith.index_cast %add3A_489 : i32 to index
      %get3A_491 = arith.constant 0 : index
      %get3A_492 = tpu.vector_load %arg9[%get3A_490, %get3A_491] {strides = array<i32>} : memref<512x32xf32, #tpu.memory_space<vmem>>, vector<16xf32>,
      %get3A_493 = arith.index_cast %add3A_489 : i32 to index
      %get3A_494 = arith.constant 16 : index
      %get3A_495 = tpu.vector_load %arg9[%get3A_493, %get3A_494] {strides = array<i32>} : memref<512x32xf32, #tpu.memory_space<vmem>>, vector<16xf32>,
      %get3A_496 = arith.index_cast %add3A_489 : i32 to index
      %get3A_497 = arith.constant 0 : index
      %get3A_498 = tpu.vector_load %arg10[%get3A_496, %get3A_497] {strides = array<i32>} : memref<512x32xf32, #tpu.memory_space<vmem>>, vector<16xf32>,
      %get3A_499 = arith.index_cast %add3A_489 : i32 to index
      %get3A_500 = arith.constant 16 : index
      %get3A_501 = tpu.vector_load %arg10[%get3A_499, %get3A_500] {strides = array<i32>} : memref<512x32xf32, #tpu.memory_space<vmem>>, vector<16xf32>,
      %mul3A_502 = arith.mulf %get3A_492, %get3A_498 : vector<16xf32>
      %mul3A_503 = arith.mulf %get3A_495, %get3A_501 : vector<16xf32>
      %add3A_504 = arith.addf %mul3A_502, %mul3A_503 : vector<16xf32>
      %eq3A_505 = arith.constant 12 : i32
      %eq3A_506 = vector.broadcast %eq3A_505 : i32 to vector<16xi32>
      %eq3A_507 = arith.cmpi eq, %iota3A, %eq3A_506 : vector<16xi32>
      %reduce_sum3A_508 = arith.constant true
      %reduce_sum3A_509 = vector.broadcast %reduce_sum3A_508 : i1 to vector<16xi1>
      %reduce_sum3A_510 = tpu.scan <sum>, %add3A_504 masked %reduce_sum3A_509 : vector<16xf32>, vector<16xi1> -> vector<16xf32>
      %reduce_sum3A_511 = vector.extract %reduce_sum3A_510[15] : f32 from vector<16xf32>
      %broadcast_in_dim3A_512 = vector.broadcast %reduce_sum3A_511 : f32 to vector<16xf32>
      %select_n3A_513 = arith.select %eq3A_507, %broadcast_in_dim3A_512, %select_n3A_485 : vector<16xi1>, vector<16xf32>
      %mul3A_514 = arith.constant 16 : i32
      %mul3A_515 = arith.muli %scan3A_152, %mul3A_514 : i32
      %add3A_516 = arith.constant 13 : i32
      %add3A_517 = arith.addi %mul3A_515, %add3A_516 : i32
      %get3A_518 = arith.index_cast %add3A_517 : i32 to index
      %get3A_519 = arith.constant 0 : index
      %get3A_520 = tpu.vector_load %arg9[%get3A_518, %get3A_519] {strides = array<i32>} : memref<512x32xf32, #tpu.memory_space<vmem>>, vector<16xf32>,
      %get3A_521 = arith.index_cast %add3A_517 : i32 to index
      %get3A_522 = arith.constant 16 : index
      %get3A_523 = tpu.vector_load %arg9[%get3A_521, %get3A_522] {strides = array<i32>} : memref<512x32xf32, #tpu.memory_space<vmem>>, vector<16xf32>,
      %get3A_524 = arith.index_cast %add3A_517 : i32 to index
      %get3A_525 = arith.constant 0 : index
      %get3A_526 = tpu.vector_load %arg10[%get3A_524, %get3A_525] {strides = array<i32>} : memref<512x32xf32, #tpu.memory_space<vmem>>, vector<16xf32>,
      %get3A_527 = arith.index_cast %add3A_517 : i32 to index
      %get3A_528 = arith.constant 16 : index
      %get3A_529 = tpu.vector_load %arg10[%get3A_527, %get3A_528] {strides = array<i32>} : memref<512x32xf32, #tpu.memory_space<vmem>>, vector<16xf32>,
      %mul3A_530 = arith.mulf %get3A_520, %get3A_526 : vector<16xf32>
      %mul3A_531 = arith.mulf %get3A_523, %get3A_529 : vector<16xf32>
      %add3A_532 = arith.addf %mul3A_530, %mul3A_531 : vector<16xf32>
      %eq3A_533 = arith.constant 13 : i32
      %eq3A_534 = vector.broadcast %eq3A_533 : i32 to vector<16xi32>
      %eq3A_535 = arith.cmpi eq, %iota3A, %eq3A_534 : vector<16xi32>
      %reduce_sum3A_536 = arith.constant true
      %reduce_sum3A_537 = vector.broadcast %reduce_sum3A_536 : i1 to vector<16xi1>
      %reduce_sum3A_538 = tpu.scan <sum>, %add3A_532 masked %reduce_sum3A_537 : vector<16xf32>, vector<16xi1> -> vector<16xf32>
      %reduce_sum3A_539 = vector.extract %reduce_sum3A_538[15] : f32 from vector<16xf32>
      %broadcast_in_dim3A_540 = vector.broadcast %reduce_sum3A_539 : f32 to vector<16xf32>
      %select_n3A_541 = arith.select %eq3A_535, %broadcast_in_dim3A_540, %select_n3A_513 : vector<16xi1>, vector<16xf32>
      %mul3A_542 = arith.constant 16 : i32
      %mul3A_543 = arith.muli %scan3A_152, %mul3A_542 : i32
      %add3A_544 = arith.constant 14 : i32
      %add3A_545 = arith.addi %mul3A_543, %add3A_544 : i32
      %get3A_546 = arith.index_cast %add3A_545 : i32 to index
      %get3A_547 = arith.constant 0 : index
      %get3A_548 = tpu.vector_load %arg9[%get3A_546, %get3A_547] {strides = array<i32>} : memref<512x32xf32, #tpu.memory_space<vmem>>, vector<16xf32>,
      %get3A_549 = arith.index_cast %add3A_545 : i32 to index
      %get3A_550 = arith.constant 16 : index
      %get3A_551 = tpu.vector_load %arg9[%get3A_549, %get3A_550] {strides = array<i32>} : memref<512x32xf32, #tpu.memory_space<vmem>>, vector<16xf32>,
      %get3A_552 = arith.index_cast %add3A_545 : i32 to index
      %get3A_553 = arith.constant 0 : index
      %get3A_554 = tpu.vector_load %arg10[%get3A_552, %get3A_553] {strides = array<i32>} : memref<512x32xf32, #tpu.memory_space<vmem>>, vector<16xf32>,
      %get3A_555 = arith.index_cast %add3A_545 : i32 to index
      %get3A_556 = arith.constant 16 : index
      %get3A_557 = tpu.vector_load %arg10[%get3A_555, %get3A_556] {strides = array<i32>} : memref<512x32xf32, #tpu.memory_space<vmem>>, vector<16xf32>,
      %mul3A_558 = arith.mulf %get3A_548, %get3A_554 : vector<16xf32>
      %mul3A_559 = arith.mulf %get3A_551, %get3A_557 : vector<16xf32>
      %add3A_560 = arith.addf %mul3A_558, %mul3A_559 : vector<16xf32>
      %eq3A_561 = arith.constant 14 : i32
      %eq3A_562 = vector.broadcast %eq3A_561 : i32 to vector<16xi32>
      %eq3A_563 = arith.cmpi eq, %iota3A, %eq3A_562 : vector<16xi32>
      %reduce_sum3A_564 = arith.constant true
      %reduce_sum3A_565 = vector.broadcast %reduce_sum3A_564 : i1 to vector<16xi1>
      %reduce_sum3A_566 = tpu.scan <sum>, %add3A_560 masked %reduce_sum3A_565 : vector<16xf32>, vector<16xi1> -> vector<16xf32>
      %reduce_sum3A_567 = vector.extract %reduce_sum3A_566[15] : f32 from vector<16xf32>
      %broadcast_in_dim3A_568 = vector.broadcast %reduce_sum3A_567 : f32 to vector<16xf32>
      %select_n3A_569 = arith.select %eq3A_563, %broadcast_in_dim3A_568, %select_n3A_541 : vector<16xi1>, vector<16xf32>
      %mul3A_570 = arith.constant 16 : i32
      %mul3A_571 = arith.muli %scan3A_152, %mul3A_570 : i32
      %add3A_572 = arith.constant 15 : i32
      %add3A_573 = arith.addi %mul3A_571, %add3A_572 : i32
      %get3A_574 = arith.index_cast %add3A_573 : i32 to index
      %get3A_575 = arith.constant 0 : index
      %get3A_576 = tpu.vector_load %arg9[%get3A_574, %get3A_575] {strides = array<i32>} : memref<512x32xf32, #tpu.memory_space<vmem>>, vector<16xf32>,
      %get3A_577 = arith.index_cast %add3A_573 : i32 to index
      %get3A_578 = arith.constant 16 : index
      %get3A_579 = tpu.vector_load %arg9[%get3A_577, %get3A_578] {strides = array<i32>} : memref<512x32xf32, #tpu.memory_space<vmem>>, vector<16xf32>,
      %get3A_580 = arith.index_cast %add3A_573 : i32 to index
      %get3A_581 = arith.constant 0 : index
      %get3A_582 = tpu.vector_load %arg10[%get3A_580, %get3A_581] {strides = array<i32>} : memref<512x32xf32, #tpu.memory_space<vmem>>, vector<16xf32>,
      %get3A_583 = arith.index_cast %add3A_573 : i32 to index
      %get3A_584 = arith.constant 16 : index
      %get3A_585 = tpu.vector_load %arg10[%get3A_583, %get3A_584] {strides = array<i32>} : memref<512x32xf32, #tpu.memory_space<vmem>>, vector<16xf32>,
      %mul3A_586 = arith.mulf %get3A_576, %get3A_582 : vector<16xf32>
      %mul3A_587 = arith.mulf %get3A_579, %get3A_585 : vector<16xf32>
      %add3A_588 = arith.addf %mul3A_586, %mul3A_587 : vector<16xf32>
      %eq3A_589 = arith.constant 15 : i32
      %eq3A_590 = vector.broadcast %eq3A_589 : i32 to vector<16xi32>
      %eq3A_591 = arith.cmpi eq, %iota3A, %eq3A_590 : vector<16xi32>
      %reduce_sum3A_592 = arith.constant true
      %reduce_sum3A_593 = vector.broadcast %reduce_sum3A_592 : i1 to vector<16xi1>
      %reduce_sum3A_594 = tpu.scan <sum>, %add3A_588 masked %reduce_sum3A_593 : vector<16xf32>, vector<16xi1> -> vector<16xf32>
      %reduce_sum3A_595 = vector.extract %reduce_sum3A_594[15] : f32 from vector<16xf32>
      %broadcast_in_dim3A_596 = vector.broadcast %reduce_sum3A_595 : f32 to vector<16xf32>
      %select_n3A_597 = arith.select %eq3A_591, %broadcast_in_dim3A_596, %select_n3A_569 : vector<16xi1>, vector<16xf32>
      %mul3A_598 = arith.constant 16 : i32
      %mul3A_599 = arith.muli %scan3A_152, %mul3A_598 : i32
      %swap3A = arith.index_cast %mul3A_599 : i32 to index
      %swap3A_600 = tpu.vector_load %arg11[%swap3A] {strides = array<i32>} : memref<512xf32, #tpu.memory_space<vmem>>, vector<16xf32>,
      tpu.vector_store %arg11[%swap3A], %select_n3A_597 {strides = array<i32>} : memref<512xf32, #tpu.memory_space<vmem>>, vector<16xf32>,
    }
    %scan3A_149 = arith.constant 32 : i32
    %mul3A_150 = arith.constant 512 : i32
    %mul3A_151 = arith.muli %add3A, %mul3A_150 : i32
    "tpu.region"() ({
      %run_scoped3A = tpu.sem_alloc : memref<!tpu.dma_semaphore, #tpu.memory_space<semaphore_mem>>
      %dma_start3A_152 = tpu.memref_slice %arg5[%mul3A_151] : memref<16384xf32, #tpu.memory_space<hbm>> -> memref<512xf32, #tpu.memory_space<hbm>>
      %dma_start3A_153 = tpu.memref_slice %arg5[%mul3A_151] : memref<16384xf32, #tpu.memory_space<hbm>> -> memref<512xf32, #tpu.memory_space<hbm>>
      tpu.enqueue_dma source(%arg11 : memref<512xf32, #tpu.memory_space<vmem>>) target(%dma_start3A_153 : memref<512xf32, #tpu.memory_space<hbm>>) target_semaphore(%run_scoped3A : memref<!tpu.dma_semaphore, #tpu.memory_space<semaphore_mem>>)
      %dma_wait3A_154 = tpu.memref_slice %arg5[%mul3A_151] : memref<16384xf32, #tpu.memory_space<hbm>> -> memref<512xf32, #tpu.memory_space<hbm>>
      %dma_wait3A_155 = tpu.memref_slice %arg5[%mul3A_151] : memref<16384xf32, #tpu.memory_space<hbm>> -> memref<512xf32, #tpu.memory_space<hbm>>
      tpu.wait_dma2 semaphore(%run_scoped3A : memref<!tpu.dma_semaphore, #tpu.memory_space<semaphore_mem>>) src(%arg11 : memref<512xf32, #tpu.memory_space<vmem>>) dst(%dma_wait3A_155 : memref<512xf32, #tpu.memory_space<hbm>>)
      tpu.yield
    }) : () -> ()
    return
  }
}

</mosaic_0001>

<sc_bundles>
// kernel: kernel.3.cloned.1.call-start
scs
__scs_entry_jumppad:
0x0: {  	(pc) =	sbr.rel $0x88, $3  }
0x1: {  	(tag) =	ssettag $0x0;
	lr =	simm.s32 $0x1  }
0x2: {  	[smem:$0x3F9E] =	sst lr;
	_ =	strace $0xD0000000  }
0x3: {  	_ = 	snop  }
0x4: {  	_ = 	snop  }
0x5: {  	_ = 	snop  }
0x6: {  	_ = 	snop  }
0x7: {  	_ = 	snop  }
__scs_overlays_trampoline_lowered:
0x8: {  	[smem:$0x3FAD] =	sst s0  }
0x9: {  	[smem:$0x3FAE] =	sst s1  }
0xa: {  	[smem:$0x3FAF] =	sst s2  }
0xb: {  	[smem:$0x3FB0] =	sst s3  }
0xc: {  	[smem:$0x3FB1] =	sst s4  }
0xd: {  	[smem:$0x3FB2] =	sst s5  }
0xe: {  	[smem:$0x3FB3] =	sst s6  }
0xf: {  	[smem:$0x3FB4] =	sst s7  }
0x10: {  	[smem:$0x3FB5] =	sst s8  }
0x11: {  	[smem:$0x3FB6] =	sst s9;
	s0 =	simm.s32 @!p0 $0x0  }
0x12: {  	s1 =	sld [smem:$0x3F9C];
	s0 =	simm.s32 @p0 $0x1  }
0x13: {  	[smem:$0x3FB7] =	sst s0;
	s0 =	simm.s32 @!p1 $0x0  }
0x14: {  	s2 =	sld [smem:$0x3F9B];
	s0 =	simm.s32 @p1 $0x1  }
0x15: {  	[smem:$0x3FB8] =	sst s0;
	s0 =	simm.s32 @!p2 $0x0  }
0x16: {  	s3 =	sld [smem:$0x3FDB];
	s0 =	simm.s32 @p2 $0x1  }
0x17: {  	s4 =	simm.s32 $0x1BF5;
	[smem:$0x3FBA] =	sst s0  }
0x18: {  	s0 =	sld [smem:$0x3F9D];
	_ =	swait.ge [sflag:s4], $0x0  }
0x19: {  	s7 =	sld [smem:$0x3F9E]  }
0x1a: {  	s8 =	sadd.s32 $0xFFFFE003, lr  }
0x1b: {  	s9 =	sadd.s32 $0xFFFFFEF7, lr;
	s5 =	simm.s32 $0xFFFFFFFF;
	p2 =	slt.u32 s8, $0xFFFFF086  }
0x1c: {  	p1 =	slt.u32 s9, $0xF7A;
	s5 =	simm.s32 @!p2 $0x0  }
0x1d: {  	s5 =	simm.s32 @p1 $0x1;
	p0 =	seq.s32 s7, s2  }
0x1e: {  	s7 =	smul.u32 @!p0 $0xF7A, s2;
	p2 =	seq.s32 @!p0 s5, $0x0  }
0x1f: {  	s9 =	smul.u32 $0xF7A, s1;
	s8 =	simm.s32 @!p0 $0x1BF5;
	p2 =	por !p2, p0  }
0x20: {  	[sflag:s8] =	ssyncset.s32 @!p0 $0xFFFFF086;
	s6 =	sadd.s32 @!p0 s3, s7;
	s7 =	simm.s32 @!p0 $0x108  }
0x21: {  	s3 =	sadd.s32 s3, s9;
	s6 =	sadd.s32 @!p0 $0x88, s6;
	s7 =	simm.s32 @p2 $0x1082  }
0x22: {  	[simem:s7], [sflag:s8] =	dma.local @!p0 [hbm:s6], $0xF7A  }
0x23: {  	s9 =	sor.u32 $0xD0000000, s2;
	s6 =	simm.s32 $0x108;
	_ =	swait.ge @!p0 [sflag:s8], $0x0  }
0x24: {  	s3 =	sadd.s32 $0x88, s3;
	s6 =	simm.s32 @!p1 $0x1082;
	[sflag:s4] =	ssyncset.s32 $0xFFFFF086  }
0x25: {  	[simem:s6], [sflag:s4] =	dma.local [hbm:s3], $0xF7A  }
0x26: {  	[smem:$0x3F9E] =	sst s1;
	(tag) =	ssettag s2;
	_ =	strace s9  }
0x27: {  	s1 =	sld [smem:$0x3FAE]  }
0x28: {  	s2 =	sld [smem:$0x3FAF]  }
0x29: {  	s4 =	sld [smem:$0x3FB1]  }
0x2a: {  	p0 =	seq.s32 s5, $0x0;
	s5 =	sld [smem:$0x3FB2]  }
0x2b: {  	s6 =	sld [smem:$0x3FB3]  }
0x2c: {  	s7 =	sld [smem:$0x3FB4]  }
0x2d: {  	s3 =	simm.s32 $0x108;
	s8 =	sld [smem:$0x3FB5]  }
0x2e: {  	s3 =	simm.s32 @!p0 $0x1082;
	s9 =	sld [smem:$0x3FB6]  }
0x2f: {  	lr =	sadd.s32 s0, s3;
	s0 =	sld [smem:$0x3FAD]  }
0x30: {  	s3 =	sld [smem:$0x3FB0]  }
0x31: {  	[smem:$0x3FB9] =	sst s10  }
0x32: {  	s10 =	sld [smem:$0x3FB7];
	_ =	sdelay $0x3  }
0x33: {  	p0 =	seq.s32 s10, $0x1;
	s10 =	sld [smem:$0x3FB9];
	_ =	sdelay $0x3  }
0x34: {  	[smem:$0x3FB9] =	sst s10  }
0x35: {  	s10 =	sld [smem:$0x3FB8];
	_ =	sdelay $0x3  }
0x36: {  	p1 =	seq.s32 s10, $0x1;
	s10 =	sld [smem:$0x3FB9];
	_ =	sdelay $0x3  }
0x37: {  	[smem:$0x3FB9] =	sst s10  }
0x38: {  	s10 =	sld [smem:$0x3FBA]  }
0x39: {  	_ = 	snop;
	(pc) =	sbr.ind lr, $3  }
0x3a: {  	_ = 	snop  }
0x3b: {  	_ = 	snop  }
0x3c: {  	p2 =	seq.s32 s10, $0x1;
	s10 =	sld [smem:$0x3FB9]  }
0x3d: {  	_ =	shalt  }
0x3e: {  	_ =	shalt  }
0x3f: {  	_ =	shalt  }
0x40: {  	_ =	shalt  }
0x41: {  	_ =	shalt  }
0x42: {  	_ =	shalt  }
0x43: {  	_ =	shalt  }
0x44: {  	_ =	shalt  }
0x45: {  	_ =	shalt  }
0x46: {  	_ =	shalt  }
0x47: {  	_ =	shalt  }
0x48: {  	_ =	shalt  }
0x49: {  	_ =	shalt  }
0x4a: {  	_ =	shalt  }
0x4b: {  	_ =	shalt  }
0x4c: {  	_ =	shalt  }
0x4d: {  	_ =	shalt  }
0x4e: {  	_ =	shalt  }
0x4f: {  	_ =	shalt  }
0x50: {  	_ =	shalt  }
0x51: {  	_ =	shalt  }
0x52: {  	_ =	shalt  }
0x53: {  	_ =	shalt  }
0x54: {  	_ =	shalt  }
0x55: {  	_ =	shalt  }
0x56: {  	_ =	shalt  }
0x57: {  	_ =	shalt  }
0x58: {  	_ =	shalt  }
0x59: {  	_ =	shalt  }
0x5a: {  	_ =	shalt  }
0x5b: {  	_ =	shalt  }
0x5c: {  	_ =	shalt  }
0x5d: {  	_ =	shalt  }
0x5e: {  	_ =	shalt  }
0x5f: {  	_ =	shalt  }
0x60: {  	_ =	shalt  }
0x61: {  	_ =	shalt  }
0x62: {  	_ =	shalt  }
0x63: {  	_ =	shalt  }
0x64: {  	_ =	shalt  }
0x65: {  	_ =	shalt  }
0x66: {  	_ =	shalt  }
0x67: {  	_ =	shalt  }
0x68: {  	_ =	shalt  }
0x69: {  	_ =	shalt  }
0x6a: {  	_ =	shalt  }
0x6b: {  	_ =	shalt  }
0x6c: {  	_ =	shalt  }
0x6d: {  	_ =	shalt  }
0x6e: {  	_ =	shalt  }
0x6f: {  	_ =	shalt  }
0x70: {  	_ =	shalt  }
0x71: {  	_ =	shalt  }
0x72: {  	_ =	shalt  }
0x73: {  	_ =	shalt  }
0x74: {  	_ =	shalt  }
0x75: {  	_ =	shalt  }
0x76: {  	_ =	shalt  }
0x77: {  	_ =	shalt  }
0x78: {  	_ =	shalt  }
0x79: {  	_ =	shalt  }
0x7a: {  	_ =	shalt  }
0x7b: {  	_ =	shalt  }
0x7c: {  	_ =	shalt  }
0x7d: {  	_ =	shalt  }
0x7e: {  	_ =	shalt  }
0x7f: {  	_ =	shalt  }
0x80: {  	_ =	shalt  }
0x81: {  	_ =	shalt  }
0x82: {  	_ =	shalt  }
0x83: {  	_ =	shalt  }
0x84: {  	_ =	shalt  }
0x85: {  	_ =	shalt  }
0x86: {  	_ =	shalt  }
0x87: {  	_ =	shalt  }
.Lfunc_end0:
.L_simem_size_0:
called_computation_lowered:
.L_overlay_start_0:
0x88: {  	s2 =	sld [smem:$0x3FD9]  }
0x89: {  	s3 =	sld [smem:$0x3FFE];
	_ =	sdelay $0x1  }
0x8a: {  	s1 =	srdreg.scid  }
0x8b: {  	s0 =	sand.u32 $0x1, s1  }
0x8c: {  	s17 =	sshll.u32 s0, $0xA;
	s2 =	sadd.s32 s3, s2  }
0x8d: {  	s2 =	sadd.s32 s2, s17  }
0x8e: {  	[smem:$0x3FC5] =	sst s2  }
0x8f: {  	_ = 	snop  }
0x90: {  	s2 =	sld [smem:$0x3FD0];
	(tm) =	ssettm $0x1  }
0x91: {  	s18 =	sld [smem:$0x3FFB];
	_ =	sdelay $0x3  }
0x92: {  	_ =	strace s18  }
0x93: {  	s3 =	sld [smem:$0x3FFC];
	_ =	sdelay $0x3  }
0x94: {  	_ =	strace s3  }
0x95: {  	s3 =	sld [smem:$0x3FFD];
	_ =	sdelay $0x3  }
0x96: {  	_ =	strace s3  }
0x97: {  	_ =	strace $0x8FFFFFFF  }
0x98: {  	s19 =	sld [smem:$0x3FDB];
	_ =	sdelay $0x1  }
0x99: {  	s4 =	simm.s32 $_scs_section_size  }
0x9a: {  	s5 =	simm.s32 $_size__tile_overlayer_lowered;
	s6 =	simm.s32 $_tile_overlayer_lowered  }
0x9b: {  	s22 =	simm.s32 $0x1BFF;
	s21 =	sshll.u32 s6, $0x1;
	s3 =	sadd.s32 s4, s19  }
0x9c: {  	s7 =	simm.s32 $0x0;
	s20 =	sshll.u32 s5, $0x1;
	s5 =	sadd.s32 s21, s3  }
0x9d: {  	[timem:s7], [sflag:s22] =	dma.local [hbm:s5], s20  }
0x9e: {  	_ =	swait.ge [sflag:s22], s20  }
0x9f: {  	s4 =	ssub.s32 $0x0, s20;
	[sflag:s22] =	ssyncset.done $0x0  }
0xa0: {  	[sflag:s22] =	ssyncadd.s32 s4;
	_ =	sdelay $0x1  }
0xa1: {  	s23 =	simm.s32 $0x1B8B  }
0xa2: {  	_ =	swait.ge [sflag:s23], $0x1  }
0xa3: {  	[sflag:s23] =	ssyncset.done $0x0  }
0xa4: {  	s25 =	simm.s32 $0x1B8E;
	s24 =	sld [smem:$0x3FFE];
	[sflag:s23] =	ssyncadd.s32 $0xFFFFFFFF  }
0xa5: {  	s26 =	simm.s32 $execute0_lowered;
	[smem:$0x3FD2] =	sst s25  }
0xa6: {  	s5 =	sshll.u32 s26, $0x1;
	_ =	strace $0x80000046;
	[dreg:$0x1] =	wrdreg $0xFFFFFFFF  }
0xa7: {  	s28 =	simm.s32 $_size_execute0_lowered;
	s3 =	sadd.s32 s3, s5;
	[dreg:$0x0] =	wrdreg $0x0  }
0xa8: {  	s5 =	sshll.u32 s28, $0x1;
	[dreg:$0x2] =	wrdreg s3  }
0xa9: {  	[dreg:$0x3] =	wrdreg s5  }
0xaa: {  	[dreg:$0x4] =	wrdreg $0xC0  }
0xab: {  	_ =	task [dreg:s7], $0x5FFFF  }
0xac: {  	[dreg:$0x1] =	wrdreg $0xFFFFFFFF  }
0xad: {  	[dreg:$0x0] =	wrdreg $0x60  }
0xae: {  	[dreg:$0x2] =	wrdreg s24  }
0xaf: {  	[dreg:$0x3] =	wrdreg s2  }
0xb0: {  	[dreg:$0x4] =	wrdreg $0x9  }
0xb1: {  	_ =	task.clear_ibuf [dreg:s7], $0x5FFFF;
	_ =	strace $0x90000046  }
0xb2: {  	s29 =	simm.s32 $0x9;
	_ =	strace $0x80000048  }
0xb3: {  	_ =	swait.ge [sflag:s29], $0x1  }
0xb4: {  	[sflag:s29] =	ssyncadd.s32 $0xFFFFFFFF  }
0xb5: {  	_ =	strace $0x90000048  }
0xb6: {  	_ =	sfence  }
0xb7: {  	s30 =	sld [smem:$0x0];
	_ =	sdelay $0x2  }
0xb8: {  	s31 =	sshll.u32 s1, $0xD;
	s1 =	sshrl.u32 s1, $0x2  }
0xb9: {  	s3 =	sand.u32 $0x4000, s31;
	s1 =	sadd.s32 s1, s30  }
0xba: {  	s0 =	sor.u32 s3, s0;
	s1 =	sshll.u32 s1, $0x11  }
0xbb: {  	s0 =	sor.u32 s1, s0  }
0xbc: {  	s0 =	sadd.s32 $0x8F2B, s0  }
0xbd: {  	[sflag:s0] =	ssyncadd.remote.s32 $0x1  }
0xbe: {  	_ =	sfence.sel $0xFFFF  }
0xbf: {  	[dreg:$0x0] =	wrdreg $0xFFFFFFFF;
	(pc) =	sbr.abs _section_cstart, $3  }
0xc0: {  	[dreg:$0x1] =	wrdreg $0xFFFFFFFF  }
0xc1: {  	_ =	task.clear_ibuf [dreg:s7], $0x2FFFF;
	_ =	strace $0x9FFFFFFF  }
0xc2: {  	(tm) =	ssettm $0x7FFFFFFF  }
0xc3: {  	_ =	shalt  }
tec
execute0_lowered:
.L_overlay_start_1:
0x0: {  	(tag) =	ssettag $0x1  }
0x1: {  	s0 =	rddreg [dreg:$0x0]  }
0x2: {  	s6 =	rddreg [dreg:$0x1];
	s3 =	srdreg.scid  }
0x3: {  	s1 =	stileid.u32;
	s2 =	simm.s32 $0x0;
	s10 =	simm.s32 $0x400  }
0x4: {  	s11 =	simm.s32 $0x800;
	s12 =	simm.s32 $0x600;
	s13 =	simm.s32 $0x4800  }
0x5: {  	s14 =	simm.s32 $0x480;
	s15 =	simm.s32 $0x1800;
	s16 =	simm.s32 $0x680  }
0x6: {  	s17 =	simm.s32 $0x5800;
	s18 =	simm.s32 $0x500;
	s19 =	simm.s32 $0x2800  }
0x7: {  	s20 =	simm.s32 $0x700;
	s21 =	simm.s32 $0x6800;
	s22 =	simm.s32 $0x580  }
0x8: {  	s23 =	simm.s32 $0x3800;
	s24 =	simm.s32 $0x780;
	s25 =	simm.s32 $0x7800  }
0x9: {  	v0 =	vlaneseq.u32;
	s26 =	simm.s32 $0x1;
	s28 =	simm.s32 $0x8800;
	s29 =	simm.s32 $0x0  }
0xa: {  	vm0 =	vmmov $0xff;
	vm1 =	vmmov $0x1;
	vm2 =	vmmov $0x3;
	s3 =	sand.u32 $0x1, s3;
	s4 =	sshll.u32 s1, $0x1;
	[smem:$0x7FF] =	sst s2  }
0xb: {  	vm3 =	vmmov $0x7;
	vm4 =	vmmov $0xf;
	vm5 =	vmmov $0x1f;
	s5 =	sor.u32 s3, s4;
	_ =	strace $0x80000047;
	s7 =	ssub.s32 $0x2, s3  }
0xc: {  	vm6 =	vmmov $0x3f;
	vm7 =	vmmov $0x7f;
	v0 =	vand.u32 $0x7, v0;
	s3 =	sadd.s32 $0x1313400, s0;
	s4 =	sshll.u32 s5, $0x7;
	s9 =	sshrl.u32 s7, $0x1  }
0xd: {  	vm8 =	vmmov $0x1ff;
	vm9 =	vmmov $0x3ff;
	v0 =	vmul.u32 $0x2, v0;
	s31 =	sshll.u32 s5, $0x6;
	s8 =	sadd.s32 s4, s0;
	s4 =	sadd.s32 $0xF42A00, s0  }
0xe: {  	vm10 =	vmmov $0x7ff;
	vm11 =	vmmov $0xfff;
	vm12 =	vmmov $0x1fff;
	s30 =	ssub.s32 s7, s9;
	s6 =	sadd.s32 s6, s31;
	s9 =	simm.s32 $0x80  }
0xf: {  	vm13 =	vmmov $0x3fff;
	vm14 =	vmmov $0x7fff;
	v1 =	vor.u32 $0x1, v0;
	s5 =	sadd.s32 $0x600, s8;
	s7 =	smax.u32 s30, $0x1;
	s8 =	simm.s32 $0x2  }
.LBB2_1:
0x10: {  	[tilespmem:s2], [sflag:$0x2] =	stream.linear.gather [hbm4b:s5+s2], $0x400, $0x38;
	[tilespmem:$0x8A00] =	vst v63  }
0x11: {  	_ =	swait.ge [sflag:s8], $0x400  }
0x12: {  	[sflag:s8] =	ssyncset.done $0x0  }
0x13: {  	s0 =	simm.s32 $0x10;
	[sflag:s8] =	ssyncadd.s32 $0xFFFFFC00  }
0x14: {  	v3 =	vld [tilespmem:s0+$0xFFFFFFF0]  }
0x15: {  	s31 =	simm.s32 $0x40;
	s30 =	simm.s32 $0x0;
	v2 =	vld [tilespmem:s0+$0x0]  }
.LBB2_2:
0x16: {  	p0 =	sne.s32 s31, $0x7C0;
	_ =	sdelay $0x2  }
0x17: {  	v4 =	vperm.xlane v3, v0  }
0x18: {  	v3 =	vperm.xlane v3, v1;
	v5 =	vperm.xlane v2, v1  }
0x19: {  	v2 =	vperm.xlane v2, v0  }
.Ltmp0:
0x1a: {  	s1 =	sshra.s32 s30, $0x2;
	s30 =	smov.u32 s31;
	v3 =	vsel vm0, v3, v5;
	(pc) =	sbr.rel @p0 .LBB2_2-.Ltmp0, $4  }
0x1b: {  	v2 =	vsel vm0, v4, v2;
	[tilespmem:s1+$0x600] =	vst v3  }
0x1c: {  	s0 =	sadd.s32 $0x20, s0;
	[tilespmem:s1+$0x400] =	vst v2  }
0x1d: {  	v3 =	vld [tilespmem:s0+$0xFFFFFFF0]  }
0x1e: {  	s31 =	sadd.s32 $0x40, s31;
	v2 =	vld [tilespmem:s0+$0x0]  }
0x1f: {  	_ =	sdelay $0x3  }
0x20: {  	v4 =	vperm.xlane v3, v1;
	v5 =	vperm.xlane v2, v1  }
0x21: {  	v3 =	vperm.xlane v3, v0;
	v2 =	vperm.xlane v2, v0  }
0x22: {  	s0 =	sshra.s32 s30, $0x2;
	v4 =	vsel vm0, v4, v5  }
0x23: {  	v2 =	vsel vm0, v3, v2;
	[tilespmem:s0+$0x600] =	vst v4  }
0x24: {  	[tilespmem:s0+$0x400] =	vst v2  }
0x25: {  	[tilespmem:s11], [sflag:$0x1] =	stream.indirect.gather [hbm4b:s3+s9], $0x20, s10, s9, $0xb8;
	[tilespmem:$0x8A00] =	vst v63  }
0x26: {  	_ = 	snop  }
0x27: {  	[tilespmem:s13], [sflag:$0x1] =	stream.indirect.gather [hbm4b:s4+s9], $0x20, s12, s9, $0xb8;
	[tilespmem:$0x8A00] =	vst v63  }
0x28: {  	_ = 	snop  }
0x29: {  	[tilespmem:s15], [sflag:$0x1] =	stream.indirect.gather [hbm4b:s3+s9], $0x20, s14, s9, $0xb8;
	[tilespmem:$0x8A00] =	vst v63  }
0x2a: {  	_ = 	snop  }
0x2b: {  	[tilespmem:s17], [sflag:$0x1] =	stream.indirect.gather [hbm4b:s4+s9], $0x20, s16, s9, $0xb8;
	[tilespmem:$0x8A00] =	vst v63  }
0x2c: {  	_ = 	snop  }
0x2d: {  	[tilespmem:s19], [sflag:$0x1] =	stream.indirect.gather [hbm4b:s3+s9], $0x20, s18, s9, $0xb8;
	[tilespmem:$0x8A00] =	vst v63  }
0x2e: {  	_ = 	snop  }
0x2f: {  	[tilespmem:s21], [sflag:$0x1] =	stream.indirect.gather [hbm4b:s4+s9], $0x20, s20, s9, $0xb8;
	[tilespmem:$0x8A00] =	vst v63  }
0x30: {  	_ = 	snop  }
0x31: {  	[tilespmem:s23], [sflag:$0x1] =	stream.indirect.gather [hbm4b:s3+s9], $0x20, s22, s9, $0xb8;
	[tilespmem:$0x8A00] =	vst v63  }
0x32: {  	_ = 	snop  }
0x33: {  	[tilespmem:s25], [sflag:$0x1] =	stream.indirect.gather [hbm4b:s4+s9], $0x20, s24, s9, $0xb8;
	[tilespmem:$0x8A00] =	vst v63  }
0x34: {  	_ =	swait.ge [sflag:s26], $0x1000  }
0x35: {  	[sflag:s26] =	ssyncset.done $0x0  }
0x36: {  	[sflag:s26] =	ssyncadd.s32 $0xFFFFF000  }
0x37: {  	_ =	swait.ge [sflag:s26], $0x1000  }
0x38: {  	[sflag:s26] =	ssyncset.done $0x0  }
0x39: {  	[sflag:s26] =	ssyncadd.s32 $0xFFFFF000  }
0x3a: {  	_ =	swait.ge [sflag:s26], $0x1000  }
0x3b: {  	[sflag:s26] =	ssyncset.done $0x0  }
0x3c: {  	[sflag:s26] =	ssyncadd.s32 $0xFFFFF000  }
0x3d: {  	_ =	swait.ge [sflag:s26], $0x1000  }
0x3e: {  	[sflag:s26] =	ssyncset.done $0x0  }
0x3f: {  	[sflag:s26] =	ssyncadd.s32 $0xFFFFF000  }
0x40: {  	_ =	swait.ge [sflag:s26], $0x1000  }
0x41: {  	[sflag:s26] =	ssyncset.done $0x0  }
0x42: {  	[sflag:s26] =	ssyncadd.s32 $0xFFFFF000  }
0x43: {  	_ =	swait.ge [sflag:s26], $0x1000  }
0x44: {  	[sflag:s26] =	ssyncset.done $0x0  }
0x45: {  	[sflag:s26] =	ssyncadd.s32 $0xFFFFF000  }
0x46: {  	_ =	swait.ge [sflag:s26], $0x1000  }
0x47: {  	[sflag:s26] =	ssyncset.done $0x0  }
0x48: {  	[sflag:s26] =	ssyncadd.s32 $0xFFFFF000  }
0x49: {  	_ =	swait.ge [sflag:s26], $0x1000  }
0x4a: {  	[sflag:s26] =	ssyncset.done $0x0  }
0x4b: {  	s1 =	simm.s32 $0x0;
	[sflag:s26] =	ssyncadd.s32 $0xFFFFF000  }
0x4c: {  	v2 =	vld [tilespmem:s1+$0x9C0]  }
0x4d: {  	v3 =	vld [tilespmem:s1+$0x49C0]  }
0x4e: {  	v4 =	vld [tilespmem:s1+$0x9D0]  }
0x4f: {  	v5 =	vld [tilespmem:s1+$0x49D0]  }
0x50: {  	v6 =	vld [tilespmem:s1+$0x9A0]  }
0x51: {  	v7 =	vld [tilespmem:s1+$0x980]  }
0x52: {  	v8 =	vld [tilespmem:s1+$0x4980]  }
0x53: {  	v9 =	vld [tilespmem:s1+$0x990]  }
0x54: {  	v10 =	vld [tilespmem:s1+$0x4990]  }
0x55: {  	v11 =	vld [tilespmem:s1+$0x960]  }
0x56: {  	v12 =	vld [tilespmem:s1+$0x4960]  }
0x57: {  	v13 =	vld [tilespmem:s1+$0x970]  }
0x58: {  	v14 =	vld [tilespmem:s1+$0x4970]  }
0x59: {  	v15 =	vld [tilespmem:s1+$0x940]  }
0x5a: {  	v16 =	vld [tilespmem:s1+$0x920]  }
0x5b: {  	v17 =	vld [tilespmem:s1+$0x4920]  }
0x5c: {  	v18 =	vld [tilespmem:s1+$0x930]  }
0x5d: {  	v19 =	vld [tilespmem:s1+$0x4930]  }
0x5e: {  	v20 =	vld [tilespmem:s1+$0x900]  }
0x5f: {  	v21 =	vld [tilespmem:s1+$0x4900]  }
0x60: {  	v22 =	vld [tilespmem:s1+$0x910]  }
0x61: {  	v23 =	vld [tilespmem:s1+$0x4910]  }
0x62: {  	v24 =	vld [tilespmem:s1+$0x8E0]  }
0x63: {  	v25 =	vld [tilespmem:s1+$0x8C0]  }
0x64: {  	v26 =	vld [tilespmem:s1+$0x48C0]  }
0x65: {  	v27 =	vld [tilespmem:s1+$0x8D0]  }
0x66: {  	v28 =	vld [tilespmem:s1+$0x48D0]  }
0x67: {  	v29 =	vld [tilespmem:s1+$0x8A0]  }
0x68: {  	v30 =	vld [tilespmem:s1+$0x48A0]  }
0x69: {  	v31 =	vld [tilespmem:s1+$0x8B0]  }
0x6a: {  	v32 =	vld [tilespmem:s1+$0x48B0]  }
0x6b: {  	v33 =	vld [tilespmem:s1+$0x880]  }
0x6c: {  	v34 =	vld [tilespmem:s1+$0x860]  }
0x6d: {  	v35 =	vld [tilespmem:s1+$0x4860]  }
0x6e: {  	v36 =	vld [tilespmem:s1+$0x870]  }
0x6f: {  	v37 =	vld [tilespmem:s1+$0x4870]  }
0x70: {  	v38 =	vld [tilespmem:s1+$0x840]  }
0x71: {  	v39 =	vld [tilespmem:s1+$0x4840]  }
0x72: {  	v40 =	vld [tilespmem:s1+$0x850]  }
0x73: {  	v41 =	vld [tilespmem:s1+$0x4850]  }
0x74: {  	v42 =	vld [tilespmem:s1+$0x4800]  }
0x75: {  	v43 =	vld [tilespmem:s1+$0x800]  }
0x76: {  	v2 =	vmul.f32 v3, v2;
	v3 =	vmul.f32 v5, v4;
	v4 =	vld [tilespmem:s1+$0x810]  }
0x77: {  	v5 =	vmul.f32 v8, v7;
	v7 =	vmul.f32 v10, v9;
	v8 =	vld [tilespmem:s1+$0x4810]  }
0x78: {  	v9 =	vmul.f32 v14, v13;
	v10 =	vld [tilespmem:s1+$0x820];
	v2 =	vadd.f32 v3, v2;
	v3 =	vmul.f32 v12, v11  }
0x79: {  	v13 =	vld [tilespmem:s1+$0x830];
	v5 =	vadd.f32 v7, v5;
	v7 =	vmul.f32 v17, v16;
	v11 =	vmul.f32 v19, v18  }
0x7a: {  	v14 =	vld [tilespmem:s1+$0x4830];
	(xrf2) =	vadd.scan.msk.f32 $0xffff, v2;
	v2 =	vadd.f32 v9, v3;
	v3 =	vmul.f32 v21, v20;
	v9 =	vmul.f32 v23, v22  }
0x7b: {  	v12 =	vld [tilespmem:s1+$0x4820];
	(xrf2) =	vadd.scan.msk.f32 $0xffff, v5;
	v5 =	vadd.f32 v11, v7;
	v7 =	vmul.f32 v26, v25;
	v11 =	vmul.f32 v28, v27  }
0x7c: {  	v16 =	vld [tilespmem:s1+$0x4880];
	(xrf2) =	vadd.scan.msk.f32 $0xffff, v2;
	v2 =	vadd.f32 v9, v3;
	v3 =	vmul.f32 v30, v29;
	v9 =	vmul.f32 v32, v31  }
0x7d: {  	v17 =	vld [tilespmem:s1+$0x890];
	(xrf2) =	vadd.scan.msk.f32 $0xffff, v5;
	v5 =	vadd.f32 v11, v7;
	v7 =	vmul.f32 v35, v34;
	v11 =	vmul.f32 v37, v36  }
0x7e: {  	v18 =	vld [tilespmem:s1+$0x4890];
	(xrf2) =	vadd.scan.msk.f32 $0xffff, v2;
	v2 =	vadd.f32 v9, v3;
	v3 =	vmul.f32 v39, v38;
	v9 =	vmul.f32 v41, v40  }
0x7f: {  	v4 =	vmul.f32 v8, v4;
	v8 =	vld [tilespmem:s1+$0x48E0];
	(xrf2) =	vadd.scan.msk.f32 $0xffff, v5;
	v5 =	vadd.f32 v11, v7  }
0x80: {  	v7 =	vmul.f32 v42, v43;
	(xrf2) =	vadd.scan.msk.f32 $0xffff, v2;
	v2 =	vadd.f32 v9, v3;
	v3 =	vmul.f32 v12, v10;
	v10 =	vld [tilespmem:s1+$0x8F0]  }
0x81: {  	v9 =	vmul.f32 v14, v13;
	v12 =	vld [tilespmem:s1+$0x4950]  }
0x82: {  	(xrf2) =	vadd.scan.msk.f32 $0xffff, v5;
	v4 =	vadd.f32 v4, v7;
	v5 =	vld [tilespmem:s1+$0x48F0]  }
0x83: {  	(xrf2) =	vadd.scan.msk.f32 $0xffff, v2;
	v2 =	vadd.f32 v9, v3;
	v3 =	vld [tilespmem:s1+$0x4940]  }
0x84: {  	v7 =	vmul.f32 v18, v17;
	v9 =	vld [tilespmem:s1+$0x950];
	(xrf2) =	vadd.scan.msk.f32 $0xffff, v4;
	v4 =	vmul.f32 v16, v33  }
0x85: {  	v16 =	vld [tilespmem:s1+$0x49B0]  }
0x86: {  	v11, _, _ =	vpop (xrf2);
	(xrf2) =	vadd.scan.msk.f32 $0xffff, v2;
	v4 =	vadd.f32 v7, v4;
	v7 =	vld [tilespmem:s1+$0x49A0]  }
0x87: {  	v8 =	vmul.f32 v8, v24;
	v2, _, _ =	vpop (xrf2);
	v5 =	vmul.f32 v5, v10;
	v10 =	vld [tilespmem:s1+$0x9B0]  }
0x88: {  	v13, _, _ =	vpop (xrf2)  }
0x89: {  	v14, _, _ =	vpop (xrf2);
	v5 =	vadd.f32 v5, v8  }
0x8a: {  	(xrf2) =	vadd.scan.msk.f32 $0xffff, v4;
	v4, _, _ =	vpop (xrf2)  }
0x8b: {  	v3 =	vmul.f32 v3, v15;
	v9 =	vmul.f32 v12, v9;
	v17, _, _ =	vpop (xrf2)  }
0x8c: {  	v6 =	vmul.f32 v7, v6;
	v15, _, _ =	vpop (xrf2);
	v7 =	vmul.f32 v16, v10  }
0x8d: {  	v12 =	vld [tilespmem:s1+$0x49E0];
	(xrf2) =	vadd.scan.msk.f32 $0xffff, v5;
	v5, _, _ =	vpop (xrf2)  }
0x8e: {  	v8 =	vld [tilespmem:s1+$0x9E0];
	v3 =	vadd.f32 v9, v3;
	v19, _, _ =	vpop (xrf2)  }
0x8f: {  	v18 =	vld [tilespmem:s1+$0x9F0];
	v10, _, _ =	vpop (xrf2)  }
0x90: {  	v9 =	vld [tilespmem:s1+$0x49F0];
	(xrf2) =	vadd.scan.msk.f32 $0xffff, v3;
	v3 =	vadd.f32 v7, v6;
	v7, _, _ =	vpop (xrf2)  }
0x91: {  	v7 =	vbroadcast v7, $0xF;
	_ =	sdelay $0x1  }
0x92: {  	v6 =	vmul.f32 v12, v8;
	v8 =	vbroadcast v10, $0xF  }
0x93: {  	v10 =	vbroadcast v19, $0xF  }
0x94: {  	v5 =	vbroadcast v5, $0xF;
	v9 =	vmul.f32 v9, v18;
	(xrf2) =	vadd.scan.msk.f32 $0xffff, v3;
	v3 =	vsel vm1, v8, v7;
	v7, _, _ =	vpop (xrf2)  }
0x95: {  	v3 =	vsel vm2, v3, v10;
	v7 =	vbroadcast v7, $0xF  }
0x96: {  	v6 =	vadd.f32 v9, v6;
	v3 =	vsel vm3, v3, v5;
	v5 =	vbroadcast v15, $0xF  }
0x97: {  	v8, _, _ =	vpop (xrf2);
	v3 =	vsel vm4, v3, v7;
	v7 =	vbroadcast v17, $0xF  }
0x98: {  	v3 =	vsel vm5, v3, v5;
	v5 =	vbroadcast v8, $0xF  }
0x99: {  	v4 =	vbroadcast v4, $0xF;
	(xrf2) =	vadd.scan.msk.f32 $0xffff, v6;
	v3 =	vsel vm6, v3, v7  }
0x9a: {  	v6, _, _ =	vpop (xrf2);
	v3 =	vsel vm7, v3, v5;
	v5 =	vbroadcast v14, $0xF  }
0x9b: {  	v3 =	vsel vm0, v3, v4;
	v4 =	vbroadcast v6, $0xF  }
0x9c: {  	v3 =	vsel vm8, v3, v5;
	v5 =	vbroadcast v13, $0xF  }
0x9d: {  	v2 =	vbroadcast v2, $0xF;
	v3 =	vsel vm9, v3, v4  }
0x9e: {  	v3 =	vsel vm10, v3, v5  }
0x9f: {  	v4, _, _ =	vpop (xrf2);
	v2 =	vsel vm11, v3, v2;
	v3 =	vbroadcast v11, $0xF  }
0xa0: {  	v4 =	vbroadcast v4, $0xF;
	_ =	sdelay $0x1  }
0xa1: {  	v2 =	vsel vm12, v2, v4  }
0xa2: {  	v2 =	vsel vm13, v2, v3;
	v3, _, _ =	vpop (xrf2)  }
0xa3: {  	s30 =	simm.s32 $0x8800;
	v2 =	vsel vm14, v2, v3  }
0xa4: {  	s31 =	simm.s32 $0x200;
	[tilespmem:s30+$0x0] =	vst v2  }
0xa5: {  	v4 =	vld [tilespmem:s31+$0x9C0]  }
0xa6: {  	v5 =	vld [tilespmem:s31+$0x49C0]  }
0xa7: {  	v7 =	vld [tilespmem:s31+$0x9D0]  }
0xa8: {  	v8 =	vld [tilespmem:s31+$0x49D0]  }
0xa9: {  	v2 =	vld [tilespmem:s31+$0x9A0]  }
0xaa: {  	v9 =	vld [tilespmem:s31+$0x980]  }
0xab: {  	v10 =	vld [tilespmem:s31+$0x4980]  }
0xac: {  	v11 =	vld [tilespmem:s31+$0x990]  }
0xad: {  	v12 =	vld [tilespmem:s31+$0x4990]  }
0xae: {  	v13 =	vld [tilespmem:s31+$0x960]  }
0xaf: {  	v14 =	vld [tilespmem:s31+$0x4960]  }
0xb0: {  	v15 =	vld [tilespmem:s31+$0x970]  }
0xb1: {  	v16 =	vld [tilespmem:s31+$0x4970]  }
0xb2: {  	v3 =	vld [tilespmem:s31+$0x940]  }
0xb3: {  	v17 =	vld [tilespmem:s31+$0x920]  }
0xb4: {  	v18 =	vld [tilespmem:s31+$0x4920]  }
0xb5: {  	v19 =	vld [tilespmem:s31+$0x930]  }
0xb6: {  	v20 =	vld [tilespmem:s31+$0x4930]  }
0xb7: {  	v52 =	vld [tilespmem:s31+$0x900]  }
0xb8: {  	v53 =	vld [tilespmem:s31+$0x4900]  }
0xb9: {  	v54 =	vld [tilespmem:s31+$0x910]  }
0xba: {  	v55 =	vld [tilespmem:s31+$0x4910]  }
0xbb: {  	v6 =	vld [tilespmem:s31+$0x8E0]  }
0xbc: {  	v56 =	vld [tilespmem:s31+$0x8C0]  }
0xbd: {  	v57 =	vld [tilespmem:s31+$0x48C0]  }
0xbe: {  	v58 =	vld [tilespmem:s31+$0x8D0]  }
0xbf: {  	v59 =	vld [tilespmem:s31+$0x48D0];
	v4 =	vmul.f32 v5, v4;
	v5 =	vmul.f32 v8, v7  }
0xc0: {  	v60 =	vld [tilespmem:s31+$0x8A0];
	v8 =	vmul.f32 v10, v9;
	v10 =	vmul.f32 v12, v11  }
0xc1: {  	v61 =	vld [tilespmem:s31+$0x48A0];
	v4 =	vadd.f32 v5, v4  }
0xc2: {  	v62 =	vld [tilespmem:s31+$0x4850];
	v11 =	vmul.f32 v16, v15;
	v5 =	vmul.f32 v14, v13;
	v8 =	vadd.f32 v10, v8  }
0xc3: {  	v7 =	vld [tilespmem:s31+$0x8B0];
	v10 =	vmul.f32 v18, v17;
	v13 =	vmul.f32 v20, v19;
	(xrf2) =	vadd.scan.msk.f32 $0xffff, v4  }
0xc4: {  	v12 =	vld [tilespmem:s31+$0x48B0];
	v4 =	vadd.f32 v11, v5;
	(xrf2) =	vadd.scan.msk.f32 $0xffff, v8  }
0xc5: {  	v9 =	vld [tilespmem:s31+$0x880];
	v5 =	vadd.f32 v13, v10  }
0xc6: {  	v15 =	vld [tilespmem:s31+$0x860];
	(xrf2) =	vadd.scan.msk.f32 $0xffff, v4  }
0xc7: {  	v16 =	vld [tilespmem:s31+$0x4860];
	v4 =	vmul.f32 v53, v52;
	(xrf2) =	vadd.scan.msk.f32 $0xffff, v5;
	v5 =	vmul.f32 v55, v54  }
0xc8: {  	v18 =	vld [tilespmem:s31+$0x840]  }
0xc9: {  	v13 =	vld [tilespmem:s31+$0x4870];
	v5 =	vadd.f32 v5, v4  }
0xca: {  	v14 =	vmul.f32 v57, v56;
	v17 =	vmul.f32 v59, v58;
	v8 =	vld [tilespmem:s31+$0x870]  }
0xcb: {  	v19 =	vld [tilespmem:s31+$0x4840];
	(xrf2) =	vadd.scan.msk.f32 $0xffff, v5  }
0xcc: {  	v20 =	vld [tilespmem:s31+$0x850];
	v17 =	vadd.f32 v17, v14  }
0xcd: {  	v63 =	vmul.f32 v61, v60;
	v10 =	vld [tilespmem:s31+$0x4800];
	v7 =	vmul.f32 v12, v7;
	v4, _, _ =	vpop (xrf2)  }
0xce: {  	v11 =	vld [tilespmem:s31+$0x800];
	v5, _, _ =	vpop (xrf2);
	(xrf2) =	vadd.scan.msk.f32 $0xffff, v17  }
0xcf: {  	v14 =	vld [tilespmem:s31+$0x4810];
	v21 =	vadd.f32 v7, v63;
	v8 =	vmul.f32 v13, v8  }
0xd0: {  	v12 =	vld [tilespmem:s31+$0x810];
	v16 =	vmul.f32 v16, v15  }
0xd1: {  	v15 =	vld [tilespmem:s31+$0x4820];
	(xrf2) =	vadd.scan.msk.f32 $0xffff, v21  }
0xd2: {  	v13 =	vld [tilespmem:s31+$0x820];
	v17 =	vadd.f32 v8, v16;
	v7, _, _ =	vpop (xrf2)  }
0xd3: {  	s0 =	simm.s32 $0x1000;
	v18 =	vmul.f32 v19, v18;
	v19 =	vmul.f32 v62, v20;
	v16 =	vld [tilespmem:s31+$0x830];
	v8, _, _ =	vpop (xrf2)  }
.LBB2_4:
0xd4: {  	p0 =	sne.s32 s0, $0xF800;
	v20 =	vld [tilespmem:s31+$0x4830];
	(xrf2) =	vadd.scan.msk.f32 $0xffff, v17  }
0xd5: {  	v21 =	vadd.f32 v19, v18;
	v18 =	vld [tilespmem:s31+$0x4880];
	v19, _, _ =	vpop (xrf2)  }
0xd6: {  	v10 =	vmul.f32 v10, v11;
	v11 =	vmul.f32 v14, v12;
	v12 =	vld [tilespmem:s31+$0x890]  }
0xd7: {  	v14 =	vld [tilespmem:s31+$0x4890];
	(xrf2) =	vadd.scan.msk.f32 $0xffff, v21  }
0xd8: {  	v10 =	vadd.f32 v11, v10;
	v11 =	vld [tilespmem:s31+$0x48E0];
	v17, _, _ =	vpop (xrf2)  }
0xd9: {  	v13 =	vmul.f32 v15, v13;
	v21 =	vmul.f32 v20, v16;
	v16 =	vld [tilespmem:s31+$0x8F0]  }
0xda: {  	v20 =	vld [tilespmem:s31+$0x48F0];
	(xrf2) =	vadd.scan.msk.f32 $0xffff, v10  }
0xdb: {  	v10 =	vadd.f32 v21, v13;
	v13 =	vld [tilespmem:s31+$0x4940];
	v15, _, _ =	vpop (xrf2)  }
0xdc: {  	v9 =	vmul.f32 v18, v9;
	v21 =	vmul.f32 v14, v12;
	v14 =	vld [tilespmem:s31+$0x950]  }
0xdd: {  	v18 =	vld [tilespmem:s31+$0x4950];
	(xrf2) =	vadd.scan.msk.f32 $0xffff, v10  }
0xde: {  	v9 =	vadd.f32 v21, v9;
	v10 =	vld [tilespmem:s31+$0x49A0];
	v12, _, _ =	vpop (xrf2)  }
0xdf: {  	v6 =	vmul.f32 v11, v6;
	v21 =	vmul.f32 v20, v16;
	v16 =	vld [tilespmem:s31+$0x9B0]  }
0xe0: {  	v20 =	vld [tilespmem:s31+$0x49B0];
	(xrf2) =	vadd.scan.msk.f32 $0xffff, v9  }
0xe1: {  	v6 =	vadd.f32 v21, v6;
	v9 =	vld [tilespmem:s31+$0x9E0];
	v11, _, _ =	vpop (xrf2)  }
0xe2: {  	v3 =	vmul.f32 v13, v3;
	v21 =	vmul.f32 v18, v14;
	v14 =	vld [tilespmem:s31+$0x49E0]  }
0xe3: {  	v18 =	vld [tilespmem:s31+$0x9F0];
	(xrf2) =	vadd.scan.msk.f32 $0xffff, v6  }
0xe4: {  	v3 =	vadd.f32 v21, v3;
	v6 =	vld [tilespmem:s31+$0x49F0];
	v13, _, _ =	vpop (xrf2)  }
0xe5: {  	v2 =	vmul.f32 v10, v2;
	v10 =	vmul.f32 v20, v16  }
0xe6: {  	(xrf2) =	vadd.scan.msk.f32 $0xffff, v3  }
0xe7: {  	v2 =	vadd.f32 v10, v2;
	v3 =	vmul.f32 v14, v9;
	v9, _, _ =	vpop (xrf2)  }
0xe8: {  	v13 =	vbroadcast v13, $0xF;
	v9 =	vbroadcast v9, $0xF  }
0xe9: {  	v11 =	vbroadcast v11, $0xF;
	v6 =	vmul.f32 v6, v18;
	(xrf2) =	vadd.scan.msk.f32 $0xffff, v2  }
0xea: {  	v2 =	vsel vm1, v13, v9;
	v9 =	vbroadcast v12, $0xF;
	v10, _, _ =	vpop (xrf2)  }
0xeb: {  	v2 =	vsel vm2, v2, v11;
	v11 =	vbroadcast v10, $0xF;
	v3 =	vadd.f32 v6, v3  }
0xec: {  	v6 =	vbroadcast v15, $0xF;
	v2 =	vsel vm3, v2, v9  }
0xed: {  	v9 =	vbroadcast v17, $0xF;
	v2 =	vsel vm4, v2, v11;
	v10, _, _ =	vpop (xrf2);
	(xrf2) =	vadd.scan.msk.f32 $0xffff, v3  }
0xee: {  	v2 =	vsel vm5, v2, v6;
	v3 =	vbroadcast v10, $0xF  }
0xef: {  	v6 =	vbroadcast v19, $0xF;
	v2 =	vsel vm6, v2, v9  }
0xf0: {  	v2 =	vsel vm7, v2, v3;
	v3 =	vbroadcast v8, $0xF;
	v8, _, _ =	vpop (xrf2)  }
0xf1: {  	v2 =	vsel vm0, v2, v6;
	v8 =	vbroadcast v8, $0xF  }
0xf2: {  	v2 =	vsel vm8, v2, v3;
	v3 =	vbroadcast v7, $0xF  }
0xf3: {  	v5 =	vbroadcast v5, $0xF;
	v2 =	vsel vm9, v2, v8;
	v6, _, _ =	vpop (xrf2)  }
0xf4: {  	v2 =	vsel vm10, v2, v3;
	v6 =	vbroadcast v6, $0xF  }
0xf5: {  	v4 =	vbroadcast v4, $0xF;
	v2 =	vsel vm11, v2, v5  }
0xf6: {  	v2 =	vsel vm12, v2, v6  }
0xf7: {  	v2 =	vsel vm13, v2, v4;
	v3, _, _ =	vpop (xrf2)  }
0xf8: {  	s30 =	sadd.s32 $0x10, s30;
	v2 =	vsel vm14, v2, v3  }
0xf9: {  	s31 =	sshra.s32 s0, $0x2;
	[tilespmem:s30+$0x0] =	vst v2  }
0xfa: {  	v4 =	vld [tilespmem:s31+$0x9C0]  }
0xfb: {  	v5 =	vld [tilespmem:s31+$0x49C0]  }
0xfc: {  	v7 =	vld [tilespmem:s31+$0x9D0]  }
0xfd: {  	v8 =	vld [tilespmem:s31+$0x49D0]  }
0xfe: {  	v2 =	vld [tilespmem:s31+$0x9A0]  }
0xff: {  	v9 =	vld [tilespmem:s31+$0x980]  }
0x100: {  	v10 =	vld [tilespmem:s31+$0x4980]  }
0x101: {  	v11 =	vld [tilespmem:s31+$0x990]  }
0x102: {  	v12 =	vld [tilespmem:s31+$0x4990]  }
0x103: {  	v13 =	vld [tilespmem:s31+$0x960]  }
0x104: {  	v14 =	vld [tilespmem:s31+$0x4960]  }
0x105: {  	v15 =	vld [tilespmem:s31+$0x970]  }
0x106: {  	v16 =	vld [tilespmem:s31+$0x4970]  }
0x107: {  	v3 =	vld [tilespmem:s31+$0x940]  }
0x108: {  	v17 =	vld [tilespmem:s31+$0x920]  }
0x109: {  	v18 =	vld [tilespmem:s31+$0x4920]  }
0x10a: {  	v19 =	vld [tilespmem:s31+$0x930]  }
0x10b: {  	v20 =	vld [tilespmem:s31+$0x4930]  }
0x10c: {  	v21 =	vld [tilespmem:s31+$0x900]  }
0x10d: {  	v22 =	vld [tilespmem:s31+$0x4900]  }
0x10e: {  	v23 =	vld [tilespmem:s31+$0x910]  }
0x10f: {  	v24 =	vld [tilespmem:s31+$0x4910]  }
0x110: {  	v4 =	vmul.f32 v5, v4;
	v5 =	vmul.f32 v8, v7;
	v6 =	vld [tilespmem:s31+$0x8E0]  }
0x111: {  	v7 =	vld [tilespmem:s31+$0x8C0]  }
0x112: {  	v4 =	vadd.f32 v5, v4;
	v8 =	vld [tilespmem:s31+$0x48C0]  }
0x113: {  	v9 =	vmul.f32 v10, v9;
	v10 =	vmul.f32 v12, v11;
	v5 =	vld [tilespmem:s31+$0x8D0]  }
0x114: {  	v11 =	vld [tilespmem:s31+$0x48D0];
	(xrf2) =	vadd.scan.msk.f32 $0xffff, v4  }
0x115: {  	v4 =	vadd.f32 v10, v9;
	v12 =	vld [tilespmem:s31+$0x8A0]  }
0x116: {  	v9 =	vmul.f32 v14, v13;
	v10 =	vmul.f32 v16, v15;
	v25 =	vld [tilespmem:s31+$0x48A0]  }
0x117: {  	v13 =	vld [tilespmem:s31+$0x8B0];
	(xrf2) =	vadd.scan.msk.f32 $0xffff, v4  }
0x118: {  	v4 =	vadd.f32 v10, v9;
	v14 =	vld [tilespmem:s31+$0x48B0]  }
0x119: {  	v15 =	vmul.f32 v20, v19;
	v10 =	vmul.f32 v18, v17;
	v9 =	vld [tilespmem:s31+$0x880]  }
0x11a: {  	v16 =	vld [tilespmem:s31+$0x860];
	(xrf2) =	vadd.scan.msk.f32 $0xffff, v4  }
0x11b: {  	v26 =	vadd.f32 v15, v10;
	v17 =	vld [tilespmem:s31+$0x4860]  }
0x11c: {  	v18 =	vmul.f32 v24, v23;
	v10 =	vmul.f32 v22, v21;
	v15 =	vld [tilespmem:s31+$0x870]  }
0x11d: {  	v19 =	vld [tilespmem:s31+$0x4870];
	(xrf2) =	vadd.scan.msk.f32 $0xffff, v26  }
0x11e: {  	v10 =	vadd.f32 v18, v10;
	v20 =	vld [tilespmem:s31+$0x840];
	v4, _, _ =	vpop (xrf2)  }
0x11f: {  	v7 =	vmul.f32 v8, v7;
	v8 =	vmul.f32 v11, v5;
	v18 =	vld [tilespmem:s31+$0x4840]  }
0x120: {  	v21 =	vld [tilespmem:s31+$0x850];
	(xrf2) =	vadd.scan.msk.f32 $0xffff, v10  }
0x121: {  	v23 =	vadd.f32 v8, v7;
	v22 =	vld [tilespmem:s31+$0x4850];
	v5, _, _ =	vpop (xrf2)  }
0x122: {  	v8 =	vmul.f32 v25, v12;
	v13 =	vmul.f32 v14, v13;
	v10 =	vld [tilespmem:s31+$0x4800]  }
0x123: {  	v11 =	vld [tilespmem:s31+$0x800];
	(xrf2) =	vadd.scan.msk.f32 $0xffff, v23  }
.Ltmp1:
0x124: {  	v23 =	vadd.f32 v13, v8;
	v12 =	vld [tilespmem:s31+$0x810];
	v7, _, _ =	vpop (xrf2);
	(pc) =	sbr.rel @p0 .LBB2_4-.Ltmp1, $4  }
0x125: {  	v16 =	vmul.f32 v17, v16;
	v17 =	vmul.f32 v19, v15;
	v14 =	vld [tilespmem:s31+$0x4810]  }
0x126: {  	v13 =	vld [tilespmem:s31+$0x820];
	(xrf2) =	vadd.scan.msk.f32 $0xffff, v23  }
0x127: {  	v17 =	vadd.f32 v17, v16;
	v15 =	vld [tilespmem:s31+$0x4820];
	v8, _, _ =	vpop (xrf2)  }
0x128: {  	s0 =	sadd.s32 $0x800, s0;
	v18 =	vmul.f32 v18, v20;
	v19 =	vmul.f32 v22, v21;
	v16 =	vld [tilespmem:s31+$0x830]  }
0x129: {  	v20 =	vld [tilespmem:s31+$0x4830]  }
0x12a: {  	v21 =	vld [tilespmem:s31+$0x4880]  }
0x12b: {  	v22 =	vld [tilespmem:s31+$0x890]  }
0x12c: {  	v23 =	vld [tilespmem:s31+$0x4890]  }
0x12d: {  	v10 =	vmul.f32 v10, v11;
	v28 =	vld [tilespmem:s31+$0x48E0];
	v27 =	vmul.f32 v14, v12  }
0x12e: {  	v31 =	vld [tilespmem:s31+$0x8F0];
	v29 =	vadd.f32 v19, v18;
	v13 =	vmul.f32 v15, v13;
	v30 =	vmul.f32 v20, v16  }
0x12f: {  	(xrf2) =	vadd.scan.msk.f32 $0xffff, v17;
	v32 =	vld [tilespmem:s31+$0x48F0];
	v10 =	vadd.f32 v27, v10  }
0x130: {  	v33 =	vld [tilespmem:s31+$0x4940];
	(xrf2) =	vadd.scan.msk.f32 $0xffff, v29;
	v13 =	vadd.f32 v30, v13  }
0x131: {  	v35 =	vld [tilespmem:s31+$0x950];
	(xrf2) =	vadd.scan.msk.f32 $0xffff, v10;
	v9 =	vmul.f32 v21, v9;
	v34 =	vmul.f32 v23, v22  }
0x132: {  	v36 =	vld [tilespmem:s31+$0x4950];
	(xrf2) =	vadd.scan.msk.f32 $0xffff, v13  }
0x133: {  	v37 =	vld [tilespmem:s31+$0x49A0];
	v9 =	vadd.f32 v34, v9  }
0x134: {  	v38 =	vld [tilespmem:s31+$0x9B0];
	v6 =	vmul.f32 v28, v6;
	v11 =	vmul.f32 v32, v31  }
0x135: {  	v39 =	vld [tilespmem:s31+$0x49B0];
	(xrf2) =	vadd.scan.msk.f32 $0xffff, v9  }
0x136: {  	v40, _, _ =	vpop (xrf2);
	v6 =	vadd.f32 v11, v6  }
0x137: {  	v41 =	vld [tilespmem:s31+$0x9E0];
	v42, _, _ =	vpop (xrf2);
	v3 =	vmul.f32 v33, v3;
	v43 =	vmul.f32 v36, v35  }
0x138: {  	v46 =	vld [tilespmem:s31+$0x9F0];
	v45, _, _ =	vpop (xrf2);
	(xrf2) =	vadd.scan.msk.f32 $0xffff, v6  }
0x139: {  	v48 =	vld [tilespmem:s31+$0x49F0];
	v3 =	vadd.f32 v43, v3;
	v47, _, _ =	vpop (xrf2)  }
0x13a: {  	v44 =	vld [tilespmem:s31+$0x49E0];
	v2 =	vmul.f32 v37, v2;
	v50 =	vmul.f32 v39, v38;
	v49, _, _ =	vpop (xrf2)  }
0x13b: {  	(xrf2) =	vadd.scan.msk.f32 $0xffff, v3;
	v51, _, _ =	vpop (xrf2)  }
0x13c: {  	v2 =	vadd.f32 v50, v2;
	v52, _, _ =	vpop (xrf2)  }
0x13d: {  	v53 =	vbroadcast v51, $0xF;
	v10 =	vbroadcast v52, $0xF  }
0x13e: {  	v55 =	vmul.f32 v48, v46;
	(xrf2) =	vadd.scan.msk.f32 $0xffff, v2;
	v54 =	vbroadcast v49, $0xF  }
0x13f: {  	v6 =	vbroadcast v47, $0xF;
	v3 =	vmul.f32 v44, v41;
	v56, _, _ =	vpop (xrf2);
	v2 =	vsel vm1, v53, v10  }
0x140: {  	v10 =	vbroadcast v56, $0xF;
	v2 =	vsel vm2, v2, v54  }
0x141: {  	v57 =	vbroadcast v45, $0xF;
	v3 =	vadd.f32 v55, v3;
	v2 =	vsel vm3, v2, v6  }
0x142: {  	v58 =	vbroadcast v42, $0xF;
	v59, _, _ =	vpop (xrf2);
	v2 =	vsel vm4, v2, v10  }
0x143: {  	(xrf2) =	vadd.scan.msk.f32 $0xffff, v3;
	v3 =	vbroadcast v59, $0xF;
	v2 =	vsel vm5, v2, v57  }
0x144: {  	v60 =	vbroadcast v40, $0xF;
	v2 =	vsel vm6, v2, v58  }
0x145: {  	v61, _, _ =	vpop (xrf2);
	v2 =	vsel vm7, v2, v3;
	v3 =	vbroadcast v8, $0xF  }
0x146: {  	v62 =	vbroadcast v61, $0xF;
	v2 =	vsel vm0, v2, v60  }
0x147: {  	v2 =	vsel vm8, v2, v3;
	v3 =	vbroadcast v7, $0xF  }
0x148: {  	v63, _, _ =	vpop (xrf2);
	v2 =	vsel vm9, v2, v62  }
0x149: {  	v5 =	vbroadcast v5, $0xF;
	v2 =	vsel vm10, v2, v3;
	v3 =	vbroadcast v63, $0xF;
	_ =	sdelay $0x1  }
0x14a: {  	v4 =	vbroadcast v4, $0xF;
	v2 =	vsel vm11, v2, v5  }
0x14b: {  	v2 =	vsel vm12, v2, v3  }
0x14c: {  	s29 =	sadd.s32 $0x1, s29;
	v2 =	vsel vm13, v2, v4;
	v3, _, _ =	vpop (xrf2)  }
0x14d: {  	s0 =	sadd.s32 $0x10, s30;
	p0 =	sne.s32 s29, s7;
	v2 =	vsel vm14, v2, v3  }
.Ltmp2:
0x14e: {  	[tilespmem:s0+$0x0] =	vst v2;
	(pc) =	sbr.rel @p0 .LBB2_1-.Ltmp2, $4  }
0x14f: {  	[hbm4b:s6+s2] =	stream.linear.scatter [tilespmem:s28], [sflag:$0x2], $0x200, $0x38;
	[tilespmem:$0x8A00] =	vst v63  }
0x150: {  	_ =	swait.ge [sflag:s8], $0x200  }
0x151: {  	[sflag:s8] =	ssyncset.done $0x0  }
0x152: {  	[sflag:s8] =	ssyncadd.s32 $0xFFFFFE00  }
0x153: {  	_ =	sfence.sel $0x180000  }
0x154: {  	[bflag:$0x0] =	sbarrier.arrive $0xFFFF  }
0x155: {  	_ =	strace $0x90000047  }
0x156: {  	s0 =	stileid.u32;
	[bflag:$0x2] =	sbarrier.arrive $0xFFFF  }
0x157: {  	p0 =	sne.s32 s0, $0x0;
	s0 =	rddreg [dreg:$0x2]  }
0x158: {  	s0 =	sadd.s32 @!p0 $0x100000, s0  }
0x159: {  	[sflag:s0] =	ssyncadd.tile.s32 @!p0 $0x1;
	_ =	shalt  }
.Lfunc_end2:
_tile_overlayer_lowered:
.L_overlay_start_2:
0x15a: {  	(tag) =	ssettag $0x2  }
0x15b: {  	s0 =	rddreg [dreg:$0x0];
	s2 =	stileid.u32  }
0x15c: {  	s1 =	rddreg [dreg:$0x1];
	p0 =	sne.s32 s2, $0x0  }
0x15d: {  	s3 =	rddreg [dreg:$0x2];
	[bflag:$0x3] =	sbarrier.arrive $0xFFFF;
	s2 =	simm.s32 @!p0 $0x1C02  }
0x15e: {  	[timem:s3], [sflag:s2] =	dma.local @!p0 [hbm:s0], s1  }
0x15f: {  	s0 =	simm.s32 @!p0 $0x2  }
0x160: {  	_ =	swait.ge @!p0 [sflag:s0], s1  }
0x161: {  	s1 =	ssub.s32 @!p0 $0x0, s1;
	[sflag:s0] =	ssyncset.done @!p0 $0x0  }
0x162: {  	[sflag:s0] =	ssyncadd.s32 @!p0 s1  }
0x163: {  	[bflag:$0x3] =	sbarrier.arrive $0xFFFF  }
0x164: {  	_ =	shalt  }

</sc_bundles>
